<compile_context>
chip_gen: v7x
topology: tpu7x:2x2x1
jax: 0.10.2.dev20260603
libtpu: 0.0.44.dev20260713+nightly
codegen_flags: <defaults>
</compile_context>

<pallas_src>
import jax
import jax.numpy as jnp
from jax import lax
from jax.experimental import pallas as pl
from jax.experimental.pallas import tpu as pltpu
from jax.experimental.pallas import tpu_sc as plsc

N = 10000
E = 320000
D = 128
G = 64
NLAYERS = 4
LAMBDA_SMOOTH = 0.005

NC, NS = 2, 16
NW = NC * NS
ECH = 128
NCHUNK = 80
HALFC = NCHUNK // 2
EPAD = NW * NCHUNK * ECH
NTRASH = 10008
ROWS_PER_SUB = N // NS

F32 = jnp.float32
I32 = jnp.int32


def _sc_agg_body(h_hbm, src_hbm, dst_hbm, out_hbm,
                 src_v, dst_v, rows0, rows1, agg_sh, sem0, sem1):
  cid = lax.axis_index("c")
  sid = lax.axis_index("s")
  wid = sid * NC + cid

  def zrow(i, _):
    for q in range(D // 16):
      rows0[i, pl.ds(q * 16, 16)] = jnp.zeros((16,), F32)
    return 0
  lax.fori_loop(0, ECH, zrow, 0)
  for k in range(4):
    pltpu.sync_copy(rows0, agg_sh.at[pl.ds(sid * ROWS_PER_SUB + k * ECH, ECH)])
  pltpu.sync_copy(rows0.at[pl.ds(0, ROWS_PER_SUB - 4 * ECH)],
                  agg_sh.at[pl.ds(sid * ROWS_PER_SUB + 4 * ECH,
                                  ROWS_PER_SUB - 4 * ECH)])
  plsc.subcore_barrier()

  def start(c, buf, sem):
    pltpu.async_copy(h_hbm.at[src_v.at[c]], buf, sem)

  def drain(c, buf, sem):
    pltpu.make_async_copy(h_hbm.at[src_v.at[c]], buf, sem).wait()

  for half in range(2):
    pltpu.sync_copy(src_hbm.at[wid, pl.ds(half * HALFC, HALFC)], src_v)
    pltpu.sync_copy(dst_hbm.at[wid, pl.ds(half * HALFC, HALFC)], dst_v)
    start(0, rows0, sem0)

    def pair(i, _):
      c = i * 2
      start(c + 1, rows1, sem1)
      drain(c, rows0, sem0)
      pltpu.sync_copy(rows0, agg_sh.at[dst_v.at[c]], add=True)

      @pl.when(c + 2 < HALFC)
      def _():
        start(c + 2, rows0, sem0)

      drain(c + 1, rows1, sem1)
      pltpu.sync_copy(rows1, agg_sh.at[dst_v.at[c + 1]], add=True)
      return 0

    lax.fori_loop(0, HALFC // 2, pair, 0)

  plsc.subcore_barrier()

  for k in range(6):
    r0 = sid * 624 + k * 96
    pltpu.sync_copy(agg_sh.at[pl.ds(r0, 96)], rows0.at[pl.ds(0, 96)])
    pltpu.sync_copy(rows0.at[pl.ds(0, 96)], out_hbm.at[cid, pl.ds(r0, 96)])
  r0 = sid * 624 + 576
  pltpu.sync_copy(agg_sh.at[pl.ds(r0, 48)], rows0.at[pl.ds(0, 48)])
  pltpu.sync_copy(rows0.at[pl.ds(0, 48)], out_hbm.at[cid, pl.ds(r0, 48)])

  @pl.when(sid == 0)
  def _():
    pltpu.sync_copy(agg_sh.at[pl.ds(16 * 624, 16)], rows0.at[pl.ds(0, 16)])
    pltpu.sync_copy(rows0.at[pl.ds(0, 16)], out_hbm.at[cid, pl.ds(16 * 624, 16)])


@jax.jit
def _sc_agg(h, src3, dst3):
  return pl.kernel(
      _sc_agg_body,
      out_type=jax.ShapeDtypeStruct((NC, N, D), F32),
      mesh=plsc.VectorSubcoreMesh(core_axis_name="c", subcore_axis_name="s"),
      scratch_types=[
          pltpu.VMEM((HALFC, ECH), I32),
          pltpu.VMEM((HALFC, ECH), I32),
          pltpu.VMEM((ECH, D), F32),
          pltpu.VMEM((ECH, D), F32),
          pltpu.VMEM_SHARED((NTRASH, D), F32),
          pltpu.SemaphoreType.DMA,
          pltpu.SemaphoreType.DMA,
      ],
  )(h, src3, dst3)


BLK = 1000
NBLK = N // BLK


def _tc_layer_body(opeps, x, p0, p1, b, w1, b1, w2, b2, h_out, uts_out):
  i = pl.program_id(0)
  z = opeps[0, 0] * x[...] + p0[...] + p1[...]
  h1 = jnp.maximum(jnp.dot(z, w1[...], preferred_element_type=F32) + b1[...],
                   0.0)
  h2 = jnp.maximum(jnp.dot(h1, w2[...], preferred_element_type=F32) + b2[...],
                   0.0)
  h_out[...] = h2
  norm = jnp.sqrt(jnp.sum(h2 * h2, axis=1))
  seg = b[0, 0, :]
  mask = (seg[:, None] == lax.broadcasted_iota(I32, (BLK, G), 1)).astype(F32)
  part = jnp.dot(norm[None, :], mask, preferred_element_type=F32,
                 precision=lax.Precision.HIGHEST)

  @pl.when(i == 0)
  def _():
    uts_out[...] = jnp.zeros_like(uts_out)

  uts_out[...] += part


@jax.jit
def _tc_layer(opeps, h, p0, p1, batch_r, w1, b1, w2, b2):
  return pl.pallas_call(
      _tc_layer_body,
      grid=(NBLK,),
      in_specs=[
          pl.BlockSpec(memory_space=pltpu.SMEM),
          pl.BlockSpec((BLK, D), lambda i: (i, 0)),
          pl.BlockSpec((BLK, D), lambda i: (i, 0)),
          pl.BlockSpec((BLK, D), lambda i: (i, 0)),
          pl.BlockSpec((1, 1, BLK), lambda i: (i, 0, 0)),
          pl.BlockSpec((D, D), lambda i: (0, 0)),
          pl.BlockSpec((1, D), lambda i: (0, 0)),
          pl.BlockSpec((D, D), lambda i: (0, 0)),
          pl.BlockSpec((1, D), lambda i: (0, 0)),
      ],
      out_specs=[
          pl.BlockSpec((BLK, D), lambda i: (i, 0)),
          pl.BlockSpec((1, G), lambda i: (0, 0)),
      ],
      out_shape=[
          jax.ShapeDtypeStruct((N, D), F32),
          jax.ShapeDtypeStruct((1, G), F32),
      ],
  )(opeps, h, p0, p1, batch_r, w1, b1, w2, b2)


def _tc_readout_body(x, b, zadd, counts, nsum, nsqsum, fmsum, fmsqsum, offs,
                     x16):
  i = pl.program_id(0)
  h = x[...]
  seg = b[0, 0, :]
  mask = (seg[:, None] == lax.broadcasted_iota(I32, (BLK, G), 1)).astype(F32)
  nsq = jnp.sum(h * h, axis=1)
  norm = jnp.sqrt(nsq)
  fm = jnp.sum(h, axis=1) * (1.0 / D)

  @pl.when(i == 0)
  def _():
    zadd[...] = jnp.zeros_like(zadd)
    counts[...] = jnp.zeros_like(counts)
    nsum[...] = jnp.zeros_like(nsum)
    nsqsum[...] = jnp.zeros_like(nsqsum)
    fmsum[...] = jnp.zeros_like(fmsum)
    fmsqsum[...] = jnp.zeros_like(fmsqsum)

  dn = (((0,), (0,)), ((), ()))
  hp = lax.Precision.HIGHEST
  zadd[...] += lax.dot_general(mask, h, dn, preferred_element_type=F32,
                               precision=hp)
  counts[...] += jnp.sum(mask, axis=0)[None, :]
  nsum[...] += jnp.dot(norm[None, :], mask, preferred_element_type=F32,
                       precision=hp)
  nsqsum[...] += jnp.dot(nsq[None, :], mask, preferred_element_type=F32,
                         precision=hp)
  fmsum[...] += jnp.dot(fm[None, :], mask, preferred_element_type=F32,
                        precision=hp)
  fmsqsum[...] += jnp.dot((fm * fm)[None, :], mask, preferred_element_type=F32,
                          precision=hp)
  x16[...] = jnp.concatenate(
      [fm[:, None], nsq[:, None], -fm[:, None], -nsq[:, None],
       jnp.zeros((BLK, 12), F32)], axis=1)

  @pl.when(i == NBLK - 1)
  def _():
    lt = (lax.broadcasted_iota(I32, (G, G), 0)
          < lax.broadcasted_iota(I32, (G, G), 1)).astype(F32)
    offs[...] = jnp.dot(counts[...], lt, preferred_element_type=F32,
                        precision=lax.Precision.HIGHEST)


@jax.jit
def _tc_readout(h, batch_r):
  return pl.pallas_call(
      _tc_readout_body,
      grid=(NBLK,),
      in_specs=[
          pl.BlockSpec((BLK, D), lambda i: (i, 0)),
          pl.BlockSpec((1, 1, BLK), lambda i: (i, 0, 0)),
      ],
      out_specs=[
          pl.BlockSpec((G, D), lambda i: (0, 0)),
          pl.BlockSpec((1, G), lambda i: (0, 0)),
          pl.BlockSpec((1, G), lambda i: (0, 0)),
          pl.BlockSpec((1, G), lambda i: (0, 0)),
          pl.BlockSpec((1, G), lambda i: (0, 0)),
          pl.BlockSpec((1, G), lambda i: (0, 0)),
          pl.BlockSpec((1, G), lambda i: (0, 0)),
          pl.BlockSpec((BLK, 16), lambda i: (i, 0)),
      ],
      out_shape=[
          jax.ShapeDtypeStruct((G, D), F32),
          jax.ShapeDtypeStruct((1, G), F32),
          jax.ShapeDtypeStruct((1, G), F32),
          jax.ShapeDtypeStruct((1, G), F32),
          jax.ShapeDtypeStruct((1, G), F32),
          jax.ShapeDtypeStruct((1, G), F32),
          jax.ShapeDtypeStruct((1, G), F32),
          jax.ShapeDtypeStruct((N, 16), F32),
      ],
  )(h, batch_r)


MCH = 64


def _sc_max_body(h_hbm, x16_hbm, offs_hbm, cnts_hbm, out_hbm,
                 off_v, cnt_v, hbuf, xbuf, obuf):
  cid = lax.axis_index("c")
  sid = lax.axis_index("s")
  wid = sid * NC + cid

  pltpu.sync_copy(offs_hbm, off_v.at[pl.ds(0, G)])
  pltpu.sync_copy(cnts_hbm, cnt_v.at[pl.ds(0, G)])

  def extract(ref, idx):
    grp = (idx // 8) * 8
    vec = ref[pl.ds(grp, 16)]
    lane = idx - grp
    s = vec[7]
    for j in range(6, -1, -1):
      s = jnp.where(lane == j, vec[j], s)
    return s.astype(I32)

  for k in range(2):
    g = wid * 2 + k
    start = extract(off_v, g)
    end = start + extract(cnt_v, g)
    astart = (start // 8) * 8
    nch = (end - astart + (MCH - 1)) // MCH

    neg_inf = jnp.full((16,), -jnp.inf, F32)
    acc0 = (neg_inf,) * (D // 16 + 1)

    def chunk(c, acc):
      cstart = jnp.minimum(astart + c * MCH, N - MCH)
      pltpu.sync_copy(h_hbm.at[pl.ds(cstart, MCH)], hbuf)
      pltpu.sync_copy(x16_hbm.at[pl.ds(cstart, MCH)], xbuf)

      def row(r, a):
        ok = jnp.logical_and(cstart + r >= start, cstart + r < end)
        new = [jnp.where(ok, jnp.maximum(a[q], hbuf[r, pl.ds(q * 16, 16)]), a[q])
               for q in range(D // 16)]
        new.append(jnp.where(ok, jnp.maximum(a[D // 16], xbuf[r, :]), a[D // 16]))
        return tuple(new)

      return lax.fori_loop(0, MCH, row, acc)

    acc = lax.fori_loop(0, nch, chunk, acc0)
    for q in range(D // 16):
      obuf[k, pl.ds(q * 16, 16)] = acc[q]
    obuf[2 + k, pl.ds(0, 16)] = acc[D // 16]

  pltpu.sync_copy(obuf, out_hbm.at[wid])


@jax.jit
def _sc_max(h, x16, offs, cnts):
  return pl.kernel(
      _sc_max_body,
      out_type=jax.ShapeDtypeStruct((NW, 8, D), F32),
      mesh=plsc.VectorSubcoreMesh(core_axis_name="c", subcore_axis_name="s"),
      scratch_types=[
          pltpu.VMEM((G + 16,), F32),
          pltpu.VMEM((G + 16,), F32),
          pltpu.VMEM((MCH, D), F32),
          pltpu.VMEM((MCH, 16), F32),
          pltpu.VMEM((8, D), F32),
      ],
  )(h, x16, offs, cnts)


def _tc_final_body(zadd, counts, nsum, nsqsum, fmsum, fmsqsum, zmax, xmax,
                   uts_sums, eg, eb, w1p, b1, g1, be1, w2, b2, w3p, b3p,
                   zstruct_out, logits_out, smooth_out):
  cnt = counts[0, :]
  cntc = jnp.maximum(cnt, 1.0)
  nonempty = cnt > 0.0

  za = zadd[...]
  zm = za / cntc[:, None]
  zx = jnp.where(cnt[:, None] > 0.0, zmax[...], 0.0)

  nm = nsum[0, :] / cntc
  nm2 = nsqsum[0, :] / cntc
  nstd = jnp.sqrt(jnp.maximum(nm2 - nm * nm, 1e-12))
  fm = fmsum[0, :] / cntc
  fm2 = fmsqsum[0, :] / cntc
  fstd = jnp.sqrt(jnp.maximum(fm2 - fm * fm, 1e-12))

  xm = xmax[...]
  fmax = jnp.where(nonempty, xm[:, 0], 0.0)
  fmin = jnp.where(nonempty, -xm[:, 2], 0.0)
  nmax = jnp.where(nonempty, jnp.sqrt(jnp.maximum(xm[:, 1], 0.0)), 0.0)
  nmin = jnp.where(nonempty, jnp.sqrt(jnp.maximum(-xm[:, 3], 0.0)), 0.0)

  e_sig = jnp.stack([nm, nstd, nmax, nmin, fm, fstd, fmax, fmin], axis=-1)
  e_sig = jnp.clip(e_sig, -50.0, 50.0)
  e_sig = e_sig * eg[...] + eb[...]

  zstruct = jnp.concatenate([za, zm, zx], axis=1)
  zstruct_out[...] = zstruct

  zfull = jnp.concatenate([zstruct, e_sig, jnp.zeros((G, 120), F32)], axis=1)
  h = jnp.dot(zfull, w1p[...], preferred_element_type=F32) + b1[...]
  h = jnp.maximum(h * g1[...] + be1[...], 0.0)
  h2 = jnp.maximum(jnp.dot(h, w2[...], preferred_element_type=F32) + b2[...],
                   0.0)
  logits_out[...] = jnp.dot(h2, w3p[...], preferred_element_type=F32) + b3p[...]

  uts = uts_sums[...] / cntc[None, :]
  dd = uts[1:, :] - uts[:-1, :]
  smooth_out[...] = jnp.full((1, 1), LAMBDA_SMOOTH / (3 * G), F32) * jnp.sum(dd * dd)


@jax.jit
def _tc_final(zadd, counts, nsum, nsqsum, fmsum, fmsqsum, zmax, xmax,
              uts_sums, eg, eb, w1p, b1, g1, be1, w2, b2, w3p, b3p):
  return pl.pallas_call(
      _tc_final_body,
      out_specs=[
          pl.BlockSpec(memory_space=pltpu.VMEM),
          pl.BlockSpec(memory_space=pltpu.VMEM),
          pl.BlockSpec(memory_space=pltpu.VMEM),
      ],
      out_shape=[
          jax.ShapeDtypeStruct((G, 3 * D), F32),
          jax.ShapeDtypeStruct((G, D), F32),
          jax.ShapeDtypeStruct((1, 1), F32),
      ],
  )(zadd, counts, nsum, nsqsum, fmsum, fmsqsum, zmax, xmax, uts_sums,
    eg, eb, w1p, b1, g1, be1, w2, b2, w3p, b3p)


def kernel(x, edge_index, batch, gin_W1, gin_b1, gin_W2, gin_b2, gin_eps,
           e_bn_gamma, e_bn_beta, cls_W1, cls_b1, bn1_gamma, bn1_beta,
           cls_W2, cls_b2, cls_W3, cls_b3):
  npad = EPAD - E
  src3 = jnp.concatenate(
      [edge_index[0], jnp.zeros((npad,), I32)]).reshape(NW, NCHUNK, ECH)
  dst3 = jnp.concatenate(
      [edge_index[1], jnp.full((npad,), N, I32)]).reshape(NW, NCHUNK, ECH)
  batch_r = batch.reshape(NBLK, 1, BLK)

  h = x
  uts_sums = []
  for l in range(NLAYERS):
    partials = _sc_agg(h, src3, dst3)
    opeps = (1.0 + gin_eps[l]).reshape(1, 1)
    h, uts_l = _tc_layer(opeps, h, partials[0], partials[1], batch_r,
                         gin_W1[l], gin_b1[l].reshape(1, D),
                         gin_W2[l], gin_b2[l].reshape(1, D))
    uts_sums.append(uts_l)

  (zadd, counts, nsum, nsqsum, fmsum, fmsqsum, offs, x16) = _tc_readout(
      h, batch_r)
  mx = _sc_max(h, x16, offs.reshape(G), counts.reshape(G))
  zmax = mx[:, :2, :].reshape(G, D)
  xmax = mx[:, 2:4, :16].reshape(G, 16)

  w1p = jnp.zeros((4 * D, D), F32).at[:3 * D + 8].set(cls_W1)
  w3p = jnp.zeros((D // 2, D), F32).at[:, :2].set(cls_W3)
  b3p = jnp.zeros((1, D), F32).at[0, :2].set(cls_b3)

  zstruct, logits_pad, smooth = _tc_final(
      zadd, counts, nsum, nsqsum, fmsum, fmsqsum, zmax, xmax,
      jnp.concatenate(uts_sums, axis=0),
      e_bn_gamma.reshape(1, 8), e_bn_beta.reshape(1, 8),
      w1p, cls_b1.reshape(1, D), bn1_gamma.reshape(1, D),
      bn1_beta.reshape(1, D), cls_W2, cls_b2.reshape(1, D // 2), w3p, b3p)

  return logits_pad[:, :2], smooth.reshape(()), zstruct

# --- scband reference (transcript-rebuilt; emitter-appended) ---
"""Pipeline reference for scband-utsgraph-classifier-42502996361222 (READ-ONLY COPY).

The authoritative reference and input builder live on the scoring server;
editing this copy changes nothing except your own understanding.
"""

import jax, jax.numpy as jnp
import numpy as np

N_NODES = 10000
N_EDGES = 320000
D_IN = 128
HIDDEN = 128
NUM_LAYERS = 4
NUM_GRAPHS = 64
UTS_DIM = 8
NUM_CLASSES = 2
LAMBDA_SMOOTH = 0.005


def setup_inputs(seed: int = 0) -> dict:
    key = jax.random.key(seed)
    ks = jax.random.split(key, 16)
    x = jax.random.normal(ks[0], (N_NODES, D_IN), dtype=jnp.float32)
    edge_index = jax.random.randint(ks[1], (2, N_EDGES), 0, N_NODES, dtype=jnp.int32)
    batch = jnp.sort(jax.random.randint(ks[2], (N_NODES,), 0, NUM_GRAPHS, dtype=jnp.int32))

    def w(k, shape):
        return jax.random.normal(k, shape, dtype=jnp.float32) * 0.05

    return {
        "x": x,
        "edge_index": edge_index,
        "batch": batch,
        "gin_W1": w(ks[3], (NUM_LAYERS, HIDDEN, HIDDEN)),
        "gin_b1": jnp.zeros((NUM_LAYERS, HIDDEN), jnp.float32),
        "gin_W2": w(ks[4], (NUM_LAYERS, HIDDEN, HIDDEN)),
        "gin_b2": jnp.zeros((NUM_LAYERS, HIDDEN), jnp.float32),
        "gin_eps": jnp.zeros((NUM_LAYERS,), jnp.float32),
        "e_bn_gamma": jnp.ones((UTS_DIM,), jnp.float32),
        "e_bn_beta": jnp.zeros((UTS_DIM,), jnp.float32),
        "cls_W1": w(ks[5], (3 * HIDDEN + UTS_DIM, HIDDEN)),
        "cls_b1": jnp.zeros((HIDDEN,), jnp.float32),
        "bn1_gamma": jnp.ones((HIDDEN,), jnp.float32),
        "bn1_beta": jnp.zeros((HIDDEN,), jnp.float32),
        "cls_W2": w(ks[6], (HIDDEN, HIDDEN // 2)),
        "cls_b2": jnp.zeros((HIDDEN // 2,), jnp.float32),
        "cls_W3": w(ks[7], (HIDDEN // 2, NUM_CLASSES)),
        "cls_b3": jnp.zeros((NUM_CLASSES,), jnp.float32),
    }


def _seg_sum(v, seg):
    return jax.ops.segment_sum(v, seg, num_segments=NUM_GRAPHS)


def _seg_mean(v, seg):
    s = _seg_sum(v, seg)
    c = _seg_sum(jnp.ones_like(v), seg)
    return s / jnp.maximum(c, 1.0)


def _seg_max(v, seg):
    m = jax.ops.segment_max(v, seg, num_segments=NUM_GRAPHS)
    return jnp.where(jnp.isfinite(m), m, 0.0)


def _seg_min(v, seg):
    return -_seg_max(-v, seg)


def _embedding_uts(H, seg):
    # EmbeddingUTS.compute_batch: per-graph statistical signature of node embeddings (DIM=8)
    norms = jnp.linalg.norm(H, axis=-1)
    fmean = jnp.mean(H, axis=-1)
    feats = []
    for v in (norms, fmean):
        m = _seg_mean(v, seg)
        m2 = _seg_mean(v * v, seg)
        std = jnp.sqrt(jnp.maximum(m2 - m * m, 1e-12))
        feats.extend([m, std, _seg_max(v, seg), _seg_min(v, seg)])
    return jnp.stack(feats, axis=-1)


def _forward(x, edge_index, batch, gin_W1, gin_b1, gin_W2, gin_b2, gin_eps,
             e_bn_gamma, e_bn_beta, cls_W1, cls_b1, bn1_gamma, bn1_beta,
             cls_W2, cls_b2, cls_W3, cls_b3):
    src = edge_index[0]
    dst = edge_index[1]
    H = x
    uts_list = []
    for l in range(NUM_LAYERS):
        # GIN message passing: scatter-add neighbor aggregation (SparseCore gather+scatter)
        agg = jnp.zeros_like(H).at[dst].add(H[src])
        z = (1.0 + gin_eps[l]) * H + agg
        z = jax.nn.relu(z @ gin_W1[l] + gin_b1[l])
        H = jax.nn.relu(z @ gin_W2[l] + gin_b2[l])
        # layer-wise UTS tracking: per-graph mean embedding norm
        uts_list.append(_seg_mean(jnp.linalg.norm(H, axis=-1), batch))
    # _readout: [add, mean, max] global pooling
    z_add = _seg_sum(H, batch)
    z_mean = _seg_mean(H, batch)
    z_max = _seg_max(H, batch)
    z_struct = jnp.concatenate([z_add, z_mean, z_max], axis=-1)
    # embedding-UTS descriptor on detached H, clamped, BN (eval mode: affine only)
    e_sig = _embedding_uts(jax.lax.stop_gradient(H), batch)
    e_sig = jnp.clip(e_sig, -50.0, 50.0)
    e_sig = e_sig * e_bn_gamma + e_bn_beta
    z = jnp.concatenate([z_struct, e_sig], axis=-1)
    # classifier (eval mode: BN affine-only, dropout identity)
    h = z @ cls_W1 + cls_b1
    h = h * bn1_gamma + bn1_beta
    h = jax.nn.relu(h)
    h = jax.nn.relu(h @ cls_W2 + cls_b2)
    logits = h @ cls_W3 + cls_b3
    uts = jnp.stack(uts_list, axis=0)
    smooth_loss = LAMBDA_SMOOTH * jnp.mean((uts[1:] - uts[:-1]) ** 2)
    return logits, smooth_loss, z_struct


def reference(x, edge_index, batch, gin_W1, gin_b1, gin_W2, gin_b2, gin_eps,
              e_bn_gamma, e_bn_beta, cls_W1, cls_b1, bn1_gamma, bn1_beta,
              cls_W2, cls_b2, cls_W3, cls_b3):
    return _forward(x, edge_index, batch, gin_W1, gin_b1, gin_W2, gin_b2, gin_eps,
                    e_bn_gamma, e_bn_beta, cls_W1, cls_b1, bn1_gamma, bn1_beta,
                    cls_W2, cls_b2, cls_W3, cls_b3)

if __name__ == "__main__":
    import jax
    _d = setup_inputs()
    print(jax.jit(kernel)(*tuple(_d.values())))

</pallas_src>

<mosaic_0001>
#map = affine_map<(d0, d1) -> (0, 0)>
#map1 = affine_map<(d0, d1) -> (0, 0, 0)>
module attributes {stable_mosaic.version = 14 : i64} {
  func.func @_sc_agg_body(%arg0: i32, %arg1: i32, %arg2: memref<10000x128xf32, #tpu.memory_space<hbm>>, %arg3: memref<32x80x128xi32, #tpu.memory_space<hbm>>, %arg4: memref<32x80x128xi32, #tpu.memory_space<hbm>>, %arg5: memref<2x10000x128xf32, #tpu.memory_space<hbm>>, %arg6: memref<40x128xi32, #tpu.memory_space<vmem>>, %arg7: memref<40x128xi32, #tpu.memory_space<vmem>>, %arg8: memref<128x128xf32, #tpu.memory_space<vmem>>, %arg9: memref<128x128xf32, #tpu.memory_space<vmem>>, %arg10: memref<10008x128xf32, #tpu.memory_space<vmem_shared>>, %arg11: memref<!tpu.dma_semaphore, #tpu.memory_space<semaphore_mem>>, %arg12: memref<!tpu.dma_semaphore, #tpu.memory_space<semaphore_mem>>) attributes {dimension_semantics = [#tpu.dimension_semantics<core_parallel>, #tpu.dimension_semantics<subcore_parallel>], iteration_bounds = array<i64: 2, 16>, scalar_prefetch = 0 : i64, scratch_operands = 7 : i64, tpu.core_type = #tpu.core_type<sc_vector_subcore>, window_params = [{transform_indices = #map}, {transform_indices = #map1}, {transform_indices = #map1}, {transform_indices = #map1}]} {
    %mul3A = arith.constant 2 : i32
    %mul3A_0 = arith.muli %arg1, %mul3A : i32
    %add3A = arith.addi %mul3A_0, %arg0 : i32
    %scan3A = arith.constant 0 : i32
    %scan3A_1 = arith.constant 0 : i32
    %scan3A_2 = arith.constant 128 : i32
    %scan3A_3 = arith.addi %scan3A_1, %scan3A_2 : i32
    %scan3A_4 = arith.constant 1 : i32
    %scan3A_5 = scf.for %scan3A_85 = %scan3A_1 to %scan3A_3 step %scan3A_4 iter_args(%scan3A_86 = %scan3A) -> (i32)  : i32 {
      %broadcast_in_dim3A = arith.constant 0.000000e+00 : f32
      %broadcast_in_dim3A_87 = vector.broadcast %broadcast_in_dim3A : f32 to vector<16xf32>
      %swap3A = arith.index_cast %scan3A_85 : i32 to index
      %swap3A_88 = arith.constant 0 : index
      %swap3A_89 = tpu.vector_load %arg8[%swap3A, %swap3A_88] {strides = array<i32>} : memref<128x128xf32, #tpu.memory_space<vmem>>, vector<1x16xf32>,
      %swap3A_90 = vector.shape_cast %swap3A_89 : vector<1x16xf32> to vector<16xf32>
      %swap3A_91 = vector.shape_cast %broadcast_in_dim3A_87 : vector<16xf32> to vector<1x16xf32>
      tpu.vector_store %arg8[%swap3A, %swap3A_88], %swap3A_91 {strides = array<i32>} : memref<128x128xf32, #tpu.memory_space<vmem>>, vector<1x16xf32>,
      %broadcast_in_dim3A_92 = arith.constant 0.000000e+00 : f32
      %broadcast_in_dim3A_93 = vector.broadcast %broadcast_in_dim3A_92 : f32 to vector<16xf32>
      %swap3A_94 = arith.index_cast %scan3A_85 : i32 to index
      %swap3A_95 = arith.constant 16 : index
      %swap3A_96 = tpu.vector_load %arg8[%swap3A_94, %swap3A_95] {strides = array<i32>} : memref<128x128xf32, #tpu.memory_space<vmem>>, vector<1x16xf32>,
      %swap3A_97 = vector.shape_cast %swap3A_96 : vector<1x16xf32> to vector<16xf32>
      %swap3A_98 = vector.shape_cast %broadcast_in_dim3A_93 : vector<16xf32> to vector<1x16xf32>
      tpu.vector_store %arg8[%swap3A_94, %swap3A_95], %swap3A_98 {strides = array<i32>} : memref<128x128xf32, #tpu.memory_space<vmem>>, vector<1x16xf32>,
      %broadcast_in_dim3A_99 = arith.constant 0.000000e+00 : f32
      %broadcast_in_dim3A_100 = vector.broadcast %broadcast_in_dim3A_99 : f32 to vector<16xf32>
      %swap3A_101 = arith.index_cast %scan3A_85 : i32 to index
      %swap3A_102 = arith.constant 32 : index
      %swap3A_103 = tpu.vector_load %arg8[%swap3A_101, %swap3A_102] {strides = array<i32>} : memref<128x128xf32, #tpu.memory_space<vmem>>, vector<1x16xf32>,
      %swap3A_104 = vector.shape_cast %swap3A_103 : vector<1x16xf32> to vector<16xf32>
      %swap3A_105 = vector.shape_cast %broadcast_in_dim3A_100 : vector<16xf32> to vector<1x16xf32>
      tpu.vector_store %arg8[%swap3A_101, %swap3A_102], %swap3A_105 {strides = array<i32>} : memref<128x128xf32, #tpu.memory_space<vmem>>, vector<1x16xf32>,
      %broadcast_in_dim3A_106 = arith.constant 0.000000e+00 : f32
      %broadcast_in_dim3A_107 = vector.broadcast %broadcast_in_dim3A_106 : f32 to vector<16xf32>
      %swap3A_108 = arith.index_cast %scan3A_85 : i32 to index
      %swap3A_109 = arith.constant 48 : index
      %swap3A_110 = tpu.vector_load %arg8[%swap3A_108, %swap3A_109] {strides = array<i32>} : memref<128x128xf32, #tpu.memory_space<vmem>>, vector<1x16xf32>,
      %swap3A_111 = vector.shape_cast %swap3A_110 : vector<1x16xf32> to vector<16xf32>
      %swap3A_112 = vector.shape_cast %broadcast_in_dim3A_107 : vector<16xf32> to vector<1x16xf32>
      tpu.vector_store %arg8[%swap3A_108, %swap3A_109], %swap3A_112 {strides = array<i32>} : memref<128x128xf32, #tpu.memory_space<vmem>>, vector<1x16xf32>,
      %broadcast_in_dim3A_113 = arith.constant 0.000000e+00 : f32
      %broadcast_in_dim3A_114 = vector.broadcast %broadcast_in_dim3A_113 : f32 to vector<16xf32>
      %swap3A_115 = arith.index_cast %scan3A_85 : i32 to index
      %swap3A_116 = arith.constant 64 : index
      %swap3A_117 = tpu.vector_load %arg8[%swap3A_115, %swap3A_116] {strides = array<i32>} : memref<128x128xf32, #tpu.memory_space<vmem>>, vector<1x16xf32>,
      %swap3A_118 = vector.shape_cast %swap3A_117 : vector<1x16xf32> to vector<16xf32>
      %swap3A_119 = vector.shape_cast %broadcast_in_dim3A_114 : vector<16xf32> to vector<1x16xf32>
      tpu.vector_store %arg8[%swap3A_115, %swap3A_116], %swap3A_119 {strides = array<i32>} : memref<128x128xf32, #tpu.memory_space<vmem>>, vector<1x16xf32>,
      %broadcast_in_dim3A_120 = arith.constant 0.000000e+00 : f32
      %broadcast_in_dim3A_121 = vector.broadcast %broadcast_in_dim3A_120 : f32 to vector<16xf32>
      %swap3A_122 = arith.index_cast %scan3A_85 : i32 to index
      %swap3A_123 = arith.constant 80 : index
      %swap3A_124 = tpu.vector_load %arg8[%swap3A_122, %swap3A_123] {strides = array<i32>} : memref<128x128xf32, #tpu.memory_space<vmem>>, vector<1x16xf32>,
      %swap3A_125 = vector.shape_cast %swap3A_124 : vector<1x16xf32> to vector<16xf32>
      %swap3A_126 = vector.shape_cast %broadcast_in_dim3A_121 : vector<16xf32> to vector<1x16xf32>
      tpu.vector_store %arg8[%swap3A_122, %swap3A_123], %swap3A_126 {strides = array<i32>} : memref<128x128xf32, #tpu.memory_space<vmem>>, vector<1x16xf32>,
      %broadcast_in_dim3A_127 = arith.constant 0.000000e+00 : f32
      %broadcast_in_dim3A_128 = vector.broadcast %broadcast_in_dim3A_127 : f32 to vector<16xf32>
      %swap3A_129 = arith.index_cast %scan3A_85 : i32 to index
      %swap3A_130 = arith.constant 96 : index
      %swap3A_131 = tpu.vector_load %arg8[%swap3A_129, %swap3A_130] {strides = array<i32>} : memref<128x128xf32, #tpu.memory_space<vmem>>, vector<1x16xf32>,
      %swap3A_132 = vector.shape_cast %swap3A_131 : vector<1x16xf32> to vector<16xf32>
      %swap3A_133 = vector.shape_cast %broadcast_in_dim3A_128 : vector<16xf32> to vector<1x16xf32>
      tpu.vector_store %arg8[%swap3A_129, %swap3A_130], %swap3A_133 {strides = array<i32>} : memref<128x128xf32, #tpu.memory_space<vmem>>, vector<1x16xf32>,
      %broadcast_in_dim3A_134 = arith.constant 0.000000e+00 : f32
      %broadcast_in_dim3A_135 = vector.broadcast %broadcast_in_dim3A_134 : f32 to vector<16xf32>
      %swap3A_136 = arith.index_cast %scan3A_85 : i32 to index
      %swap3A_137 = arith.constant 112 : index
      %swap3A_138 = tpu.vector_load %arg8[%swap3A_136, %swap3A_137] {strides = array<i32>} : memref<128x128xf32, #tpu.memory_space<vmem>>, vector<1x16xf32>,
      %swap3A_139 = vector.shape_cast %swap3A_138 : vector<1x16xf32> to vector<16xf32>
      %swap3A_140 = vector.shape_cast %broadcast_in_dim3A_135 : vector<16xf32> to vector<1x16xf32>
      tpu.vector_store %arg8[%swap3A_136, %swap3A_137], %swap3A_140 {strides = array<i32>} : memref<128x128xf32, #tpu.memory_space<vmem>>, vector<1x16xf32>,
      %scan3A_141 = arith.constant 0 : i32
      scf.yield %scan3A_141 : i32
    }
    %scan3A_6 = arith.constant 128 : i32
    %mul3A_7 = arith.constant 625 : i32
    %mul3A_8 = arith.muli %arg1, %mul3A_7 : i32
    %add3A_9 = arith.constant 0 : i32
    %add3A_10 = arith.addi %mul3A_8, %add3A_9 : i32
    "tpu.region"() ({
      %run_scoped3A = tpu.sem_alloc : memref<!tpu.dma_semaphore, #tpu.memory_space<semaphore_mem>>
      %dma_start3A_85 = arith.constant 0 : i32
      %dma_start3A_86 = tpu.memref_slice %arg10[%add3A_10, %dma_start3A_85] : memref<10008x128xf32, #tpu.memory_space<vmem_shared>> -> memref<128x128xf32, #tpu.memory_space<vmem_shared>>
      %dma_start3A_87 = arith.constant 0 : i32
      %dma_start3A_88 = tpu.memref_slice %arg10[%add3A_10, %dma_start3A_87] : memref<10008x128xf32, #tpu.memory_space<vmem_shared>> -> memref<128x128xf32, #tpu.memory_space<vmem_shared>>
      tpu.enqueue_dma source(%arg8 : memref<128x128xf32, #tpu.memory_space<vmem>>) target(%dma_start3A_88 : memref<128x128xf32, #tpu.memory_space<vmem_shared>>) target_semaphore(%run_scoped3A : memref<!tpu.dma_semaphore, #tpu.memory_space<semaphore_mem>>)
      %dma_wait3A = arith.constant 0 : i32
      %dma_wait3A_89 = tpu.memref_slice %arg10[%add3A_10, %dma_wait3A] : memref<10008x128xf32, #tpu.memory_space<vmem_shared>> -> memref<128x128xf32, #tpu.memory_space<vmem_shared>>
      %dma_wait3A_90 = arith.constant 0 : i32
      %dma_wait3A_91 = tpu.memref_slice %arg10[%add3A_10, %dma_wait3A_90] : memref<10008x128xf32, #tpu.memory_space<vmem_shared>> -> memref<128x128xf32, #tpu.memory_space<vmem_shared>>
      tpu.wait_dma2 semaphore(%run_scoped3A : memref<!tpu.dma_semaphore, #tpu.memory_space<semaphore_mem>>) src(%arg8 : memref<128x128xf32, #tpu.memory_space<vmem>>) dst(%dma_wait3A_91 : memref<128x128xf32, #tpu.memory_space<vmem_shared>>)
      tpu.yield
    }) : () -> ()
    %mul3A_11 = arith.constant 625 : i32
    %mul3A_12 = arith.muli %arg1, %mul3A_11 : i32
    %add3A_13 = arith.constant 128 : i32
    %add3A_14 = arith.addi %mul3A_12, %add3A_13 : i32
    "tpu.region"() ({
      %run_scoped3A = tpu.sem_alloc : memref<!tpu.dma_semaphore, #tpu.memory_space<semaphore_mem>>
      %dma_start3A_85 = arith.constant 0 : i32
      %dma_start3A_86 = tpu.memref_slice %arg10[%add3A_14, %dma_start3A_85] : memref<10008x128xf32, #tpu.memory_space<vmem_shared>> -> memref<128x128xf32, #tpu.memory_space<vmem_shared>>
      %dma_start3A_87 = arith.constant 0 : i32
      %dma_start3A_88 = tpu.memref_slice %arg10[%add3A_14, %dma_start3A_87] : memref<10008x128xf32, #tpu.memory_space<vmem_shared>> -> memref<128x128xf32, #tpu.memory_space<vmem_shared>>
      tpu.enqueue_dma source(%arg8 : memref<128x128xf32, #tpu.memory_space<vmem>>) target(%dma_start3A_88 : memref<128x128xf32, #tpu.memory_space<vmem_shared>>) target_semaphore(%run_scoped3A : memref<!tpu.dma_semaphore, #tpu.memory_space<semaphore_mem>>)
      %dma_wait3A = arith.constant 0 : i32
      %dma_wait3A_89 = tpu.memref_slice %arg10[%add3A_14, %dma_wait3A] : memref<10008x128xf32, #tpu.memory_space<vmem_shared>> -> memref<128x128xf32, #tpu.memory_space<vmem_shared>>
      %dma_wait3A_90 = arith.constant 0 : i32
      %dma_wait3A_91 = tpu.memref_slice %arg10[%add3A_14, %dma_wait3A_90] : memref<10008x128xf32, #tpu.memory_space<vmem_shared>> -> memref<128x128xf32, #tpu.memory_space<vmem_shared>>
      tpu.wait_dma2 semaphore(%run_scoped3A : memref<!tpu.dma_semaphore, #tpu.memory_space<semaphore_mem>>) src(%arg8 : memref<128x128xf32, #tpu.memory_space<vmem>>) dst(%dma_wait3A_91 : memref<128x128xf32, #tpu.memory_space<vmem_shared>>)
      tpu.yield
    }) : () -> ()
    %mul3A_15 = arith.constant 625 : i32
    %mul3A_16 = arith.muli %arg1, %mul3A_15 : i32
    %add3A_17 = arith.constant 256 : i32
    %add3A_18 = arith.addi %mul3A_16, %add3A_17 : i32
    "tpu.region"() ({
      %run_scoped3A = tpu.sem_alloc : memref<!tpu.dma_semaphore, #tpu.memory_space<semaphore_mem>>
      %dma_start3A_85 = arith.constant 0 : i32
      %dma_start3A_86 = tpu.memref_slice %arg10[%add3A_18, %dma_start3A_85] : memref<10008x128xf32, #tpu.memory_space<vmem_shared>> -> memref<128x128xf32, #tpu.memory_space<vmem_shared>>
      %dma_start3A_87 = arith.constant 0 : i32
      %dma_start3A_88 = tpu.memref_slice %arg10[%add3A_18, %dma_start3A_87] : memref<10008x128xf32, #tpu.memory_space<vmem_shared>> -> memref<128x128xf32, #tpu.memory_space<vmem_shared>>
      tpu.enqueue_dma source(%arg8 : memref<128x128xf32, #tpu.memory_space<vmem>>) target(%dma_start3A_88 : memref<128x128xf32, #tpu.memory_space<vmem_shared>>) target_semaphore(%run_scoped3A : memref<!tpu.dma_semaphore, #tpu.memory_space<semaphore_mem>>)
      %dma_wait3A = arith.constant 0 : i32
      %dma_wait3A_89 = tpu.memref_slice %arg10[%add3A_18, %dma_wait3A] : memref<10008x128xf32, #tpu.memory_space<vmem_shared>> -> memref<128x128xf32, #tpu.memory_space<vmem_shared>>
      %dma_wait3A_90 = arith.constant 0 : i32
      %dma_wait3A_91 = tpu.memref_slice %arg10[%add3A_18, %dma_wait3A_90] : memref<10008x128xf32, #tpu.memory_space<vmem_shared>> -> memref<128x128xf32, #tpu.memory_space<vmem_shared>>
      tpu.wait_dma2 semaphore(%run_scoped3A : memref<!tpu.dma_semaphore, #tpu.memory_space<semaphore_mem>>) src(%arg8 : memref<128x128xf32, #tpu.memory_space<vmem>>) dst(%dma_wait3A_91 : memref<128x128xf32, #tpu.memory_space<vmem_shared>>)
      tpu.yield
    }) : () -> ()
    %mul3A_19 = arith.constant 625 : i32
    %mul3A_20 = arith.muli %arg1, %mul3A_19 : i32
    %add3A_21 = arith.constant 384 : i32
    %add3A_22 = arith.addi %mul3A_20, %add3A_21 : i32
    "tpu.region"() ({
      %run_scoped3A = tpu.sem_alloc : memref<!tpu.dma_semaphore, #tpu.memory_space<semaphore_mem>>
      %dma_start3A_85 = arith.constant 0 : i32
      %dma_start3A_86 = tpu.memref_slice %arg10[%add3A_22, %dma_start3A_85] : memref<10008x128xf32, #tpu.memory_space<vmem_shared>> -> memref<128x128xf32, #tpu.memory_space<vmem_shared>>
      %dma_start3A_87 = arith.constant 0 : i32
      %dma_start3A_88 = tpu.memref_slice %arg10[%add3A_22, %dma_start3A_87] : memref<10008x128xf32, #tpu.memory_space<vmem_shared>> -> memref<128x128xf32, #tpu.memory_space<vmem_shared>>
      tpu.enqueue_dma source(%arg8 : memref<128x128xf32, #tpu.memory_space<vmem>>) target(%dma_start3A_88 : memref<128x128xf32, #tpu.memory_space<vmem_shared>>) target_semaphore(%run_scoped3A : memref<!tpu.dma_semaphore, #tpu.memory_space<semaphore_mem>>)
      %dma_wait3A = arith.constant 0 : i32
      %dma_wait3A_89 = tpu.memref_slice %arg10[%add3A_22, %dma_wait3A] : memref<10008x128xf32, #tpu.memory_space<vmem_shared>> -> memref<128x128xf32, #tpu.memory_space<vmem_shared>>
      %dma_wait3A_90 = arith.constant 0 : i32
      %dma_wait3A_91 = tpu.memref_slice %arg10[%add3A_22, %dma_wait3A_90] : memref<10008x128xf32, #tpu.memory_space<vmem_shared>> -> memref<128x128xf32, #tpu.memory_space<vmem_shared>>
      tpu.wait_dma2 semaphore(%run_scoped3A : memref<!tpu.dma_semaphore, #tpu.memory_space<semaphore_mem>>) src(%arg8 : memref<128x128xf32, #tpu.memory_space<vmem>>) dst(%dma_wait3A_91 : memref<128x128xf32, #tpu.memory_space<vmem_shared>>)
      tpu.yield
    }) : () -> ()
    %mul3A_23 = arith.constant 625 : i32
    %mul3A_24 = arith.muli %arg1, %mul3A_23 : i32
    %add3A_25 = arith.constant 512 : i32
    %add3A_26 = arith.addi %mul3A_24, %add3A_25 : i32
    "tpu.region"() ({
      %run_scoped3A = tpu.sem_alloc : memref<!tpu.dma_semaphore, #tpu.memory_space<semaphore_mem>>
      %dma_start3A_85 = arith.constant 0 : i32
      %dma_start3A_86 = arith.constant 0 : i32
      %dma_start3A_87 = tpu.memref_slice %arg8[%dma_start3A_85, %dma_start3A_86] : memref<128x128xf32, #tpu.memory_space<vmem>> -> memref<113x128xf32, #tpu.memory_space<vmem>>
      %dma_start3A_88 = arith.constant 0 : i32
      %dma_start3A_89 = tpu.memref_slice %arg10[%add3A_26, %dma_start3A_88] : memref<10008x128xf32, #tpu.memory_space<vmem_shared>> -> memref<113x128xf32, #tpu.memory_space<vmem_shared>>
      %dma_start3A_90 = arith.constant 0 : i32
      %dma_start3A_91 = tpu.memref_slice %arg10[%add3A_26, %dma_start3A_90] : memref<10008x128xf32, #tpu.memory_space<vmem_shared>> -> memref<113x128xf32, #tpu.memory_space<vmem_shared>>
      %dma_start3A_92 = arith.constant 0 : i32
      %dma_start3A_93 = arith.constant 0 : i32
      %dma_start3A_94 = tpu.memref_slice %arg8[%dma_start3A_92, %dma_start3A_93] : memref<128x128xf32, #tpu.memory_space<vmem>> -> memref<113x128xf32, #tpu.memory_space<vmem>>
      tpu.enqueue_dma source(%dma_start3A_94 : memref<113x128xf32, #tpu.memory_space<vmem>>) target(%dma_start3A_91 : memref<113x128xf32, #tpu.memory_space<vmem_shared>>) target_semaphore(%run_scoped3A : memref<!tpu.dma_semaphore, #tpu.memory_space<semaphore_mem>>)
      %dma_wait3A = arith.constant 0 : i32
      %dma_wait3A_95 = arith.constant 0 : i32
      %dma_wait3A_96 = tpu.memref_slice %arg8[%dma_wait3A, %dma_wait3A_95] : memref<128x128xf32, #tpu.memory_space<vmem>> -> memref<113x128xf32, #tpu.memory_space<vmem>>
      %dma_wait3A_97 = arith.constant 0 : i32
      %dma_wait3A_98 = tpu.memref_slice %arg10[%add3A_26, %dma_wait3A_97] : memref<10008x128xf32, #tpu.memory_space<vmem_shared>> -> memref<113x128xf32, #tpu.memory_space<vmem_shared>>
      %dma_wait3A_99 = arith.constant 0 : i32
      %dma_wait3A_100 = tpu.memref_slice %arg10[%add3A_26, %dma_wait3A_99] : memref<10008x128xf32, #tpu.memory_space<vmem_shared>> -> memref<113x128xf32, #tpu.memory_space<vmem_shared>>
      %dma_wait3A_101 = arith.constant 0 : i32
      %dma_wait3A_102 = arith.constant 0 : i32
      %dma_wait3A_103 = tpu.memref_slice %arg8[%dma_wait3A_101, %dma_wait3A_102] : memref<128x128xf32, #tpu.memory_space<vmem>> -> memref<113x128xf32, #tpu.memory_space<vmem>>
      tpu.wait_dma2 semaphore(%run_scoped3A : memref<!tpu.dma_semaphore, #tpu.memory_space<semaphore_mem>>) src(%dma_wait3A_103 : memref<113x128xf32, #tpu.memory_space<vmem>>) dst(%dma_wait3A_100 : memref<113x128xf32, #tpu.memory_space<vmem_shared>>)
      tpu.yield
    }) : () -> ()
    %barrier3A = arith.constant 0 : index
    tpu.barrier barrier_id(%barrier3A)
    "tpu.region"() ({
      %run_scoped3A = tpu.sem_alloc : memref<!tpu.dma_semaphore, #tpu.memory_space<semaphore_mem>>
      %dma_start3A_85 = arith.constant 0 : i32
      %dma_start3A_86 = arith.constant 0 : i32
      %dma_start3A_87 = tpu.memref_slice %arg3[%add3A, %dma_start3A_85, %dma_start3A_86] : memref<32x80x128xi32, #tpu.memory_space<hbm>> -> memref<1x40x128xi32, #tpu.memory_space<hbm>>
      %dma_start3A_88 = tpu.memref_squeeze %dma_start3A_87 : memref<1x40x128xi32, #tpu.memory_space<hbm>> -> memref<40x128xi32, #tpu.memory_space<hbm>>
      %dma_start3A_89 = arith.constant 0 : i32
      %dma_start3A_90 = arith.constant 0 : i32
      %dma_start3A_91 = tpu.memref_slice %arg3[%add3A, %dma_start3A_89, %dma_start3A_90] : memref<32x80x128xi32, #tpu.memory_space<hbm>> -> memref<1x40x128xi32, #tpu.memory_space<hbm>>
      %dma_start3A_92 = tpu.memref_squeeze %dma_start3A_91 : memref<1x40x128xi32, #tpu.memory_space<hbm>> -> memref<40x128xi32, #tpu.memory_space<hbm>>
      tpu.enqueue_dma source(%dma_start3A_92 : memref<40x128xi32, #tpu.memory_space<hbm>>) target(%arg6 : memref<40x128xi32, #tpu.memory_space<vmem>>) target_semaphore(%run_scoped3A : memref<!tpu.dma_semaphore, #tpu.memory_space<semaphore_mem>>)
      %dma_wait3A = arith.constant 0 : i32
      %dma_wait3A_93 = arith.constant 0 : i32
      %dma_wait3A_94 = tpu.memref_slice %arg3[%add3A, %dma_wait3A, %dma_wait3A_93] : memref<32x80x128xi32, #tpu.memory_space<hbm>> -> memref<1x40x128xi32, #tpu.memory_space<hbm>>
      %dma_wait3A_95 = tpu.memref_squeeze %dma_wait3A_94 : memref<1x40x128xi32, #tpu.memory_space<hbm>> -> memref<40x128xi32, #tpu.memory_space<hbm>>
      %dma_wait3A_96 = arith.constant 0 : i32
      %dma_wait3A_97 = arith.constant 0 : i32
      %dma_wait3A_98 = tpu.memref_slice %arg3[%add3A, %dma_wait3A_96, %dma_wait3A_97] : memref<32x80x128xi32, #tpu.memory_space<hbm>> -> memref<1x40x128xi32, #tpu.memory_space<hbm>>
      %dma_wait3A_99 = tpu.memref_squeeze %dma_wait3A_98 : memref<1x40x128xi32, #tpu.memory_space<hbm>> -> memref<40x128xi32, #tpu.memory_space<hbm>>
      tpu.wait_dma2 semaphore(%run_scoped3A : memref<!tpu.dma_semaphore, #tpu.memory_space<semaphore_mem>>) src(%dma_wait3A_99 : memref<40x128xi32, #tpu.memory_space<hbm>>) dst(%arg6 : memref<40x128xi32, #tpu.memory_space<vmem>>)
      tpu.yield
    }) : () -> ()
    "tpu.region"() ({
      %run_scoped3A = tpu.sem_alloc : memref<!tpu.dma_semaphore, #tpu.memory_space<semaphore_mem>>
      %dma_start3A_85 = arith.constant 0 : i32
      %dma_start3A_86 = arith.constant 0 : i32
      %dma_start3A_87 = tpu.memref_slice %arg4[%add3A, %dma_start3A_85, %dma_start3A_86] : memref<32x80x128xi32, #tpu.memory_space<hbm>> -> memref<1x40x128xi32, #tpu.memory_space<hbm>>
      %dma_start3A_88 = tpu.memref_squeeze %dma_start3A_87 : memref<1x40x128xi32, #tpu.memory_space<hbm>> -> memref<40x128xi32, #tpu.memory_space<hbm>>
      %dma_start3A_89 = arith.constant 0 : i32
      %dma_start3A_90 = arith.constant 0 : i32
      %dma_start3A_91 = tpu.memref_slice %arg4[%add3A, %dma_start3A_89, %dma_start3A_90] : memref<32x80x128xi32, #tpu.memory_space<hbm>> -> memref<1x40x128xi32, #tpu.memory_space<hbm>>
      %dma_start3A_92 = tpu.memref_squeeze %dma_start3A_91 : memref<1x40x128xi32, #tpu.memory_space<hbm>> -> memref<40x128xi32, #tpu.memory_space<hbm>>
      tpu.enqueue_dma source(%dma_start3A_92 : memref<40x128xi32, #tpu.memory_space<hbm>>) target(%arg7 : memref<40x128xi32, #tpu.memory_space<vmem>>) target_semaphore(%run_scoped3A : memref<!tpu.dma_semaphore, #tpu.memory_space<semaphore_mem>>)
      %dma_wait3A = arith.constant 0 : i32
      %dma_wait3A_93 = arith.constant 0 : i32
      %dma_wait3A_94 = tpu.memref_slice %arg4[%add3A, %dma_wait3A, %dma_wait3A_93] : memref<32x80x128xi32, #tpu.memory_space<hbm>> -> memref<1x40x128xi32, #tpu.memory_space<hbm>>
      %dma_wait3A_95 = tpu.memref_squeeze %dma_wait3A_94 : memref<1x40x128xi32, #tpu.memory_space<hbm>> -> memref<40x128xi32, #tpu.memory_space<hbm>>
      %dma_wait3A_96 = arith.constant 0 : i32
      %dma_wait3A_97 = arith.constant 0 : i32
      %dma_wait3A_98 = tpu.memref_slice %arg4[%add3A, %dma_wait3A_96, %dma_wait3A_97] : memref<32x80x128xi32, #tpu.memory_space<hbm>> -> memref<1x40x128xi32, #tpu.memory_space<hbm>>
      %dma_wait3A_99 = tpu.memref_squeeze %dma_wait3A_98 : memref<1x40x128xi32, #tpu.memory_space<hbm>> -> memref<40x128xi32, #tpu.memory_space<hbm>>
      tpu.wait_dma2 semaphore(%run_scoped3A : memref<!tpu.dma_semaphore, #tpu.memory_space<semaphore_mem>>) src(%dma_wait3A_99 : memref<40x128xi32, #tpu.memory_space<hbm>>) dst(%arg7 : memref<40x128xi32, #tpu.memory_space<vmem>>)
      tpu.yield
    }) : () -> ()
    %dma_start3A = arith.constant 0 : i32
    %dma_start3A_27 = arith.constant 0 : i32
    %dma_start3A_28 = tpu.memref_slice %arg6[%dma_start3A, %dma_start3A_27] : memref<40x128xi32, #tpu.memory_space<vmem>> -> memref<1x128xi32, #tpu.memory_space<vmem>>
    %dma_start3A_29 = tpu.memref_squeeze %dma_start3A_28 : memref<1x128xi32, #tpu.memory_space<vmem>> -> memref<128xi32, #tpu.memory_space<vmem>>
    %dma_start3A_30 = arith.constant 0 : i32
    %dma_start3A_31 = arith.constant 0 : i32
    %dma_start3A_32 = tpu.memref_slice %arg2[%dma_start3A_30, %dma_start3A_31] : memref<10000x128xf32, #tpu.memory_space<hbm>> -> memref<10000x128xf32, #tpu.memory_space<hbm>>
    tpu.enqueue_indirect_dma source(%dma_start3A_32 : memref<10000x128xf32, #tpu.memory_space<hbm>>) target(%arg8 : memref<128x128xf32, #tpu.memory_space<vmem>>) offsets(%dma_start3A_29 : memref<128xi32, #tpu.memory_space<vmem>>) semaphore(%arg11 : memref<!tpu.dma_semaphore, #tpu.memory_space<semaphore_mem>>)
    %scan3A_33 = arith.constant 0 : i32
    %scan3A_34 = arith.constant 0 : i32
    %scan3A_35 = arith.constant 20 : i32
    %scan3A_36 = arith.addi %scan3A_34, %scan3A_35 : i32
    %scan3A_37 = arith.constant 1 : i32
    %scan3A_38 = scf.for %scan3A_85 = %scan3A_34 to %scan3A_36 step %scan3A_37 iter_args(%scan3A_86 = %scan3A_33) -> (i32)  : i32 {
      %mul3A_87 = arith.constant 2 : i32
      %mul3A_88 = arith.muli %scan3A_85, %mul3A_87 : i32
      %add3A_89 = arith.constant 1 : i32
      %add3A_90 = arith.addi %mul3A_88, %add3A_89 : i32
      %dma_start3A_91 = arith.constant 0 : i32
      %dma_start3A_92 = tpu.memref_slice %arg6[%add3A_90, %dma_start3A_91] : memref<40x128xi32, #tpu.memory_space<vmem>> -> memref<1x128xi32, #tpu.memory_space<vmem>>
      %dma_start3A_93 = tpu.memref_squeeze %dma_start3A_92 : memref<1x128xi32, #tpu.memory_space<vmem>> -> memref<128xi32, #tpu.memory_space<vmem>>
      %dma_start3A_94 = arith.constant 0 : i32
      %dma_start3A_95 = arith.constant 0 : i32
      %dma_start3A_96 = tpu.memref_slice %arg2[%dma_start3A_94, %dma_start3A_95] : memref<10000x128xf32, #tpu.memory_space<hbm>> -> memref<10000x128xf32, #tpu.memory_space<hbm>>
      tpu.enqueue_indirect_dma source(%dma_start3A_96 : memref<10000x128xf32, #tpu.memory_space<hbm>>) target(%arg9 : memref<128x128xf32, #tpu.memory_space<vmem>>) offsets(%dma_start3A_93 : memref<128xi32, #tpu.memory_space<vmem>>) semaphore(%arg12 : memref<!tpu.dma_semaphore, #tpu.memory_space<semaphore_mem>>)
      %dma_wait3A = arith.constant 0 : i32
      %dma_wait3A_97 = tpu.memref_slice %arg6[%mul3A_88, %dma_wait3A] : memref<40x128xi32, #tpu.memory_space<vmem>> -> memref<1x128xi32, #tpu.memory_space<vmem>>
      %dma_wait3A_98 = tpu.memref_squeeze %dma_wait3A_97 : memref<1x128xi32, #tpu.memory_space<vmem>> -> memref<128xi32, #tpu.memory_space<vmem>>
      %dma_wait3A_99 = arith.constant 0 : i32
      %dma_wait3A_100 = arith.constant 0 : i32
      %dma_wait3A_101 = tpu.memref_slice %arg2[%dma_wait3A_99, %dma_wait3A_100] : memref<10000x128xf32, #tpu.memory_space<hbm>> -> memref<10000x128xf32, #tpu.memory_space<hbm>>
      tpu.wait_indirect_dma semaphore(%arg11 : memref<!tpu.dma_semaphore, #tpu.memory_space<semaphore_mem>>) src(%dma_wait3A_101 : memref<10000x128xf32, #tpu.memory_space<hbm>>) dst(%arg8 : memref<128x128xf32, #tpu.memory_space<vmem>>)
      "tpu.region"() ({
        %run_scoped3A = tpu.sem_alloc : memref<!tpu.dma_semaphore, #tpu.memory_space<semaphore_mem>>
        %dma_start3A_119 = arith.constant 0 : i32
        %dma_start3A_120 = tpu.memref_slice %arg7[%mul3A_88, %dma_start3A_119] : memref<40x128xi32, #tpu.memory_space<vmem>> -> memref<1x128xi32, #tpu.memory_space<vmem>>
        %dma_start3A_121 = tpu.memref_squeeze %dma_start3A_120 : memref<1x128xi32, #tpu.memory_space<vmem>> -> memref<128xi32, #tpu.memory_space<vmem>>
        %dma_start3A_122 = arith.constant 0 : i32
        %dma_start3A_123 = arith.constant 0 : i32
        %dma_start3A_124 = tpu.memref_slice %arg10[%dma_start3A_122, %dma_start3A_123] : memref<10008x128xf32, #tpu.memory_space<vmem_shared>> -> memref<10008x128xf32, #tpu.memory_space<vmem_shared>>
        tpu.enqueue_indirect_dma source(%arg8 : memref<128x128xf32, #tpu.memory_space<vmem>>) target(%dma_start3A_124 : memref<10008x128xf32, #tpu.memory_space<vmem_shared>>) offsets(%dma_start3A_121 : memref<128xi32, #tpu.memory_space<vmem>>) semaphore(%run_scoped3A : memref<!tpu.dma_semaphore, #tpu.memory_space<semaphore_mem>>) {add = true}
        %dma_wait3A_125 = arith.constant 0 : i32
        %dma_wait3A_126 = tpu.memref_slice %arg7[%mul3A_88, %dma_wait3A_125] : memref<40x128xi32, #tpu.memory_space<vmem>> -> memref<1x128xi32, #tpu.memory_space<vmem>>
        %dma_wait3A_127 = tpu.memref_squeeze %dma_wait3A_126 : memref<1x128xi32, #tpu.memory_space<vmem>> -> memref<128xi32, #tpu.memory_space<vmem>>
        %dma_wait3A_128 = arith.constant 0 : i32
        %dma_wait3A_129 = arith.constant 0 : i32
        %dma_wait3A_130 = tpu.memref_slice %arg10[%dma_wait3A_128, %dma_wait3A_129] : memref<10008x128xf32, #tpu.memory_space<vmem_shared>> -> memref<10008x128xf32, #tpu.memory_space<vmem_shared>>
        tpu.wait_indirect_dma semaphore(%run_scoped3A : memref<!tpu.dma_semaphore, #tpu.memory_space<semaphore_mem>>) src(%arg8 : memref<128x128xf32, #tpu.memory_space<vmem>>) dst(%dma_wait3A_130 : memref<10008x128xf32, #tpu.memory_space<vmem_shared>>)
        tpu.yield
      }) : () -> ()
      %add3A_102 = arith.constant 2 : i32
      %add3A_103 = arith.addi %mul3A_88, %add3A_102 : i32
      %lt3A = arith.constant 40 : i32
      %lt3A_104 = arith.cmpi slt, %add3A_103, %lt3A : i32
      %convert_element_type3A_105 = arith.extui %lt3A_104 : i1 to i32
      %cond3A_106 = arith.constant 0 : i32
      %cond3A_107 = arith.cmpi ne, %convert_element_type3A_105, %cond3A_106 : i32
      scf.if %cond3A_107 {
        %add3A_119 = arith.constant 2 : i32
        %add3A_120 = arith.addi %mul3A_88, %add3A_119 : i32
        %dma_start3A_121 = arith.constant 0 : i32
        %dma_start3A_122 = tpu.memref_slice %arg6[%add3A_120, %dma_start3A_121] : memref<40x128xi32, #tpu.memory_space<vmem>> -> memref<1x128xi32, #tpu.memory_space<vmem>>
        %dma_start3A_123 = tpu.memref_squeeze %dma_start3A_122 : memref<1x128xi32, #tpu.memory_space<vmem>> -> memref<128xi32, #tpu.memory_space<vmem>>
        %dma_start3A_124 = arith.constant 0 : i32
        %dma_start3A_125 = arith.constant 0 : i32
        %dma_start3A_126 = tpu.memref_slice %arg2[%dma_start3A_124, %dma_start3A_125] : memref<10000x128xf32, #tpu.memory_space<hbm>> -> memref<10000x128xf32, #tpu.memory_space<hbm>>
        tpu.enqueue_indirect_dma source(%dma_start3A_126 : memref<10000x128xf32, #tpu.memory_space<hbm>>) target(%arg8 : memref<128x128xf32, #tpu.memory_space<vmem>>) offsets(%dma_start3A_123 : memref<128xi32, #tpu.memory_space<vmem>>) semaphore(%arg11 : memref<!tpu.dma_semaphore, #tpu.memory_space<semaphore_mem>>)
      } else {
      }
      %add3A_108 = arith.constant 1 : i32
      %add3A_109 = arith.addi %mul3A_88, %add3A_108 : i32
      %dma_wait3A_110 = arith.constant 0 : i32
      %dma_wait3A_111 = tpu.memref_slice %arg6[%add3A_109, %dma_wait3A_110] : memref<40x128xi32, #tpu.memory_space<vmem>> -> memref<1x128xi32, #tpu.memory_space<vmem>>
      %dma_wait3A_112 = tpu.memref_squeeze %dma_wait3A_111 : memref<1x128xi32, #tpu.memory_space<vmem>> -> memref<128xi32, #tpu.memory_space<vmem>>
      %dma_wait3A_113 = arith.constant 0 : i32
      %dma_wait3A_114 = arith.constant 0 : i32
      %dma_wait3A_115 = tpu.memref_slice %arg2[%dma_wait3A_113, %dma_wait3A_114] : memref<10000x128xf32, #tpu.memory_space<hbm>> -> memref<10000x128xf32, #tpu.memory_space<hbm>>
      tpu.wait_indirect_dma semaphore(%arg12 : memref<!tpu.dma_semaphore, #tpu.memory_space<semaphore_mem>>) src(%dma_wait3A_115 : memref<10000x128xf32, #tpu.memory_space<hbm>>) dst(%arg9 : memref<128x128xf32, #tpu.memory_space<vmem>>)
      %add3A_116 = arith.constant 1 : i32
      %add3A_117 = arith.addi %mul3A_88, %add3A_116 : i32
      "tpu.region"() ({
        %run_scoped3A = tpu.sem_alloc : memref<!tpu.dma_semaphore, #tpu.memory_space<semaphore_mem>>
        %dma_start3A_119 = arith.constant 0 : i32
        %dma_start3A_120 = tpu.memref_slice %arg7[%add3A_117, %dma_start3A_119] : memref<40x128xi32, #tpu.memory_space<vmem>> -> memref<1x128xi32, #tpu.memory_space<vmem>>
        %dma_start3A_121 = tpu.memref_squeeze %dma_start3A_120 : memref<1x128xi32, #tpu.memory_space<vmem>> -> memref<128xi32, #tpu.memory_space<vmem>>
        %dma_start3A_122 = arith.constant 0 : i32
        %dma_start3A_123 = arith.constant 0 : i32
        %dma_start3A_124 = tpu.memref_slice %arg10[%dma_start3A_122, %dma_start3A_123] : memref<10008x128xf32, #tpu.memory_space<vmem_shared>> -> memref<10008x128xf32, #tpu.memory_space<vmem_shared>>
        tpu.enqueue_indirect_dma source(%arg9 : memref<128x128xf32, #tpu.memory_space<vmem>>) target(%dma_start3A_124 : memref<10008x128xf32, #tpu.memory_space<vmem_shared>>) offsets(%dma_start3A_121 : memref<128xi32, #tpu.memory_space<vmem>>) semaphore(%run_scoped3A : memref<!tpu.dma_semaphore, #tpu.memory_space<semaphore_mem>>) {add = true}
        %dma_wait3A_125 = arith.constant 0 : i32
        %dma_wait3A_126 = tpu.memref_slice %arg7[%add3A_117, %dma_wait3A_125] : memref<40x128xi32, #tpu.memory_space<vmem>> -> memref<1x128xi32, #tpu.memory_space<vmem>>
        %dma_wait3A_127 = tpu.memref_squeeze %dma_wait3A_126 : memref<1x128xi32, #tpu.memory_space<vmem>> -> memref<128xi32, #tpu.memory_space<vmem>>
        %dma_wait3A_128 = arith.constant 0 : i32
        %dma_wait3A_129 = arith.constant 0 : i32
        %dma_wait3A_130 = tpu.memref_slice %arg10[%dma_wait3A_128, %dma_wait3A_129] : memref<10008x128xf32, #tpu.memory_space<vmem_shared>> -> memref<10008x128xf32, #tpu.memory_space<vmem_shared>>
        tpu.wait_indirect_dma semaphore(%run_scoped3A : memref<!tpu.dma_semaphore, #tpu.memory_space<semaphore_mem>>) src(%arg9 : memref<128x128xf32, #tpu.memory_space<vmem>>) dst(%dma_wait3A_130 : memref<10008x128xf32, #tpu.memory_space<vmem_shared>>)
        tpu.yield
      }) : () -> ()
      %scan3A_118 = arith.constant 0 : i32
      scf.yield %scan3A_118 : i32
    }
    %scan3A_39 = arith.constant 20 : i32
    "tpu.region"() ({
      %run_scoped3A = tpu.sem_alloc : memref<!tpu.dma_semaphore, #tpu.memory_space<semaphore_mem>>
      %dma_start3A_85 = arith.constant 40 : i32
      %dma_start3A_86 = arith.constant 0 : i32
      %dma_start3A_87 = tpu.memref_slice %arg3[%add3A, %dma_start3A_85, %dma_start3A_86] : memref<32x80x128xi32, #tpu.memory_space<hbm>> -> memref<1x40x128xi32, #tpu.memory_space<hbm>>
      %dma_start3A_88 = tpu.memref_squeeze %dma_start3A_87 : memref<1x40x128xi32, #tpu.memory_space<hbm>> -> memref<40x128xi32, #tpu.memory_space<hbm>>
      %dma_start3A_89 = arith.constant 40 : i32
      %dma_start3A_90 = arith.constant 0 : i32
      %dma_start3A_91 = tpu.memref_slice %arg3[%add3A, %dma_start3A_89, %dma_start3A_90] : memref<32x80x128xi32, #tpu.memory_space<hbm>> -> memref<1x40x128xi32, #tpu.memory_space<hbm>>
      %dma_start3A_92 = tpu.memref_squeeze %dma_start3A_91 : memref<1x40x128xi32, #tpu.memory_space<hbm>> -> memref<40x128xi32, #tpu.memory_space<hbm>>
      tpu.enqueue_dma source(%dma_start3A_92 : memref<40x128xi32, #tpu.memory_space<hbm>>) target(%arg6 : memref<40x128xi32, #tpu.memory_space<vmem>>) target_semaphore(%run_scoped3A : memref<!tpu.dma_semaphore, #tpu.memory_space<semaphore_mem>>)
      %dma_wait3A = arith.constant 40 : i32
      %dma_wait3A_93 = arith.constant 0 : i32
      %dma_wait3A_94 = tpu.memref_slice %arg3[%add3A, %dma_wait3A, %dma_wait3A_93] : memref<32x80x128xi32, #tpu.memory_space<hbm>> -> memref<1x40x128xi32, #tpu.memory_space<hbm>>
      %dma_wait3A_95 = tpu.memref_squeeze %dma_wait3A_94 : memref<1x40x128xi32, #tpu.memory_space<hbm>> -> memref<40x128xi32, #tpu.memory_space<hbm>>
      %dma_wait3A_96 = arith.constant 40 : i32
      %dma_wait3A_97 = arith.constant 0 : i32
      %dma_wait3A_98 = tpu.memref_slice %arg3[%add3A, %dma_wait3A_96, %dma_wait3A_97] : memref<32x80x128xi32, #tpu.memory_space<hbm>> -> memref<1x40x128xi32, #tpu.memory_space<hbm>>
      %dma_wait3A_99 = tpu.memref_squeeze %dma_wait3A_98 : memref<1x40x128xi32, #tpu.memory_space<hbm>> -> memref<40x128xi32, #tpu.memory_space<hbm>>
      tpu.wait_dma2 semaphore(%run_scoped3A : memref<!tpu.dma_semaphore, #tpu.memory_space<semaphore_mem>>) src(%dma_wait3A_99 : memref<40x128xi32, #tpu.memory_space<hbm>>) dst(%arg6 : memref<40x128xi32, #tpu.memory_space<vmem>>)
      tpu.yield
    }) : () -> ()
    "tpu.region"() ({
      %run_scoped3A = tpu.sem_alloc : memref<!tpu.dma_semaphore, #tpu.memory_space<semaphore_mem>>
      %dma_start3A_85 = arith.constant 40 : i32
      %dma_start3A_86 = arith.constant 0 : i32
      %dma_start3A_87 = tpu.memref_slice %arg4[%add3A, %dma_start3A_85, %dma_start3A_86] : memref<32x80x128xi32, #tpu.memory_space<hbm>> -> memref<1x40x128xi32, #tpu.memory_space<hbm>>
      %dma_start3A_88 = tpu.memref_squeeze %dma_start3A_87 : memref<1x40x128xi32, #tpu.memory_space<hbm>> -> memref<40x128xi32, #tpu.memory_space<hbm>>
      %dma_start3A_89 = arith.constant 40 : i32
      %dma_start3A_90 = arith.constant 0 : i32
      %dma_start3A_91 = tpu.memref_slice %arg4[%add3A, %dma_start3A_89, %dma_start3A_90] : memref<32x80x128xi32, #tpu.memory_space<hbm>> -> memref<1x40x128xi32, #tpu.memory_space<hbm>>
      %dma_start3A_92 = tpu.memref_squeeze %dma_start3A_91 : memref<1x40x128xi32, #tpu.memory_space<hbm>> -> memref<40x128xi32, #tpu.memory_space<hbm>>
      tpu.enqueue_dma source(%dma_start3A_92 : memref<40x128xi32, #tpu.memory_space<hbm>>) target(%arg7 : memref<40x128xi32, #tpu.memory_space<vmem>>) target_semaphore(%run_scoped3A : memref<!tpu.dma_semaphore, #tpu.memory_space<semaphore_mem>>)
      %dma_wait3A = arith.constant 40 : i32
      %dma_wait3A_93 = arith.constant 0 : i32
      %dma_wait3A_94 = tpu.memref_slice %arg4[%add3A, %dma_wait3A, %dma_wait3A_93] : memref<32x80x128xi32, #tpu.memory_space<hbm>> -> memref<1x40x128xi32, #tpu.memory_space<hbm>>
      %dma_wait3A_95 = tpu.memref_squeeze %dma_wait3A_94 : memref<1x40x128xi32, #tpu.memory_space<hbm>> -> memref<40x128xi32, #tpu.memory_space<hbm>>
      %dma_wait3A_96 = arith.constant 40 : i32
      %dma_wait3A_97 = arith.constant 0 : i32
      %dma_wait3A_98 = tpu.memref_slice %arg4[%add3A, %dma_wait3A_96, %dma_wait3A_97] : memref<32x80x128xi32, #tpu.memory_space<hbm>> -> memref<1x40x128xi32, #tpu.memory_space<hbm>>
      %dma_wait3A_99 = tpu.memref_squeeze %dma_wait3A_98 : memref<1x40x128xi32, #tpu.memory_space<hbm>> -> memref<40x128xi32, #tpu.memory_space<hbm>>
      tpu.wait_dma2 semaphore(%run_scoped3A : memref<!tpu.dma_semaphore, #tpu.memory_space<semaphore_mem>>) src(%dma_wait3A_99 : memref<40x128xi32, #tpu.memory_space<hbm>>) dst(%arg7 : memref<40x128xi32, #tpu.memory_space<vmem>>)
      tpu.yield
    }) : () -> ()
    %dma_start3A_40 = arith.constant 0 : i32
    %dma_start3A_41 = arith.constant 0 : i32
    %dma_start3A_42 = tpu.memref_slice %arg6[%dma_start3A_40, %dma_start3A_41] : memref<40x128xi32, #tpu.memory_space<vmem>> -> memref<1x128xi32, #tpu.memory_space<vmem>>
    %dma_start3A_43 = tpu.memref_squeeze %dma_start3A_42 : memref<1x128xi32, #tpu.memory_space<vmem>> -> memref<128xi32, #tpu.memory_space<vmem>>
    %dma_start3A_44 = arith.constant 0 : i32
    %dma_start3A_45 = arith.constant 0 : i32
    %dma_start3A_46 = tpu.memref_slice %arg2[%dma_start3A_44, %dma_start3A_45] : memref<10000x128xf32, #tpu.memory_space<hbm>> -> memref<10000x128xf32, #tpu.memory_space<hbm>>
    tpu.enqueue_indirect_dma source(%dma_start3A_46 : memref<10000x128xf32, #tpu.memory_space<hbm>>) target(%arg8 : memref<128x128xf32, #tpu.memory_space<vmem>>) offsets(%dma_start3A_43 : memref<128xi32, #tpu.memory_space<vmem>>) semaphore(%arg11 : memref<!tpu.dma_semaphore, #tpu.memory_space<semaphore_mem>>)
    %scan3A_47 = arith.constant 0 : i32
    %scan3A_48 = arith.constant 0 : i32
    %scan3A_49 = arith.constant 20 : i32
    %scan3A_50 = arith.addi %scan3A_48, %scan3A_49 : i32
    %scan3A_51 = arith.constant 1 : i32
    %scan3A_52 = scf.for %scan3A_85 = %scan3A_48 to %scan3A_50 step %scan3A_51 iter_args(%scan3A_86 = %scan3A_47) -> (i32)  : i32 {
      %mul3A_87 = arith.constant 2 : i32
      %mul3A_88 = arith.muli %scan3A_85, %mul3A_87 : i32
      %add3A_89 = arith.constant 1 : i32
      %add3A_90 = arith.addi %mul3A_88, %add3A_89 : i32
      %dma_start3A_91 = arith.constant 0 : i32
      %dma_start3A_92 = tpu.memref_slice %arg6[%add3A_90, %dma_start3A_91] : memref<40x128xi32, #tpu.memory_space<vmem>> -> memref<1x128xi32, #tpu.memory_space<vmem>>
      %dma_start3A_93 = tpu.memref_squeeze %dma_start3A_92 : memref<1x128xi32, #tpu.memory_space<vmem>> -> memref<128xi32, #tpu.memory_space<vmem>>
      %dma_start3A_94 = arith.constant 0 : i32
      %dma_start3A_95 = arith.constant 0 : i32
      %dma_start3A_96 = tpu.memref_slice %arg2[%dma_start3A_94, %dma_start3A_95] : memref<10000x128xf32, #tpu.memory_space<hbm>> -> memref<10000x128xf32, #tpu.memory_space<hbm>>
      tpu.enqueue_indirect_dma source(%dma_start3A_96 : memref<10000x128xf32, #tpu.memory_space<hbm>>) target(%arg9 : memref<128x128xf32, #tpu.memory_space<vmem>>) offsets(%dma_start3A_93 : memref<128xi32, #tpu.memory_space<vmem>>) semaphore(%arg12 : memref<!tpu.dma_semaphore, #tpu.memory_space<semaphore_mem>>)
      %dma_wait3A = arith.constant 0 : i32
      %dma_wait3A_97 = tpu.memref_slice %arg6[%mul3A_88, %dma_wait3A] : memref<40x128xi32, #tpu.memory_space<vmem>> -> memref<1x128xi32, #tpu.memory_space<vmem>>
      %dma_wait3A_98 = tpu.memref_squeeze %dma_wait3A_97 : memref<1x128xi32, #tpu.memory_space<vmem>> -> memref<128xi32, #tpu.memory_space<vmem>>
      %dma_wait3A_99 = arith.constant 0 : i32
      %dma_wait3A_100 = arith.constant 0 : i32
      %dma_wait3A_101 = tpu.memref_slice %arg2[%dma_wait3A_99, %dma_wait3A_100] : memref<10000x128xf32, #tpu.memory_space<hbm>> -> memref<10000x128xf32, #tpu.memory_space<hbm>>
      tpu.wait_indirect_dma semaphore(%arg11 : memref<!tpu.dma_semaphore, #tpu.memory_space<semaphore_mem>>) src(%dma_wait3A_101 : memref<10000x128xf32, #tpu.memory_space<hbm>>) dst(%arg8 : memref<128x128xf32, #tpu.memory_space<vmem>>)
      "tpu.region"() ({
        %run_scoped3A = tpu.sem_alloc : memref<!tpu.dma_semaphore, #tpu.memory_space<semaphore_mem>>
        %dma_start3A_119 = arith.constant 0 : i32
        %dma_start3A_120 = tpu.memref_slice %arg7[%mul3A_88, %dma_start3A_119] : memref<40x128xi32, #tpu.memory_space<vmem>> -> memref<1x128xi32, #tpu.memory_space<vmem>>
        %dma_start3A_121 = tpu.memref_squeeze %dma_start3A_120 : memref<1x128xi32, #tpu.memory_space<vmem>> -> memref<128xi32, #tpu.memory_space<vmem>>
        %dma_start3A_122 = arith.constant 0 : i32
        %dma_start3A_123 = arith.constant 0 : i32
        %dma_start3A_124 = tpu.memref_slice %arg10[%dma_start3A_122, %dma_start3A_123] : memref<10008x128xf32, #tpu.memory_space<vmem_shared>> -> memref<10008x128xf32, #tpu.memory_space<vmem_shared>>
        tpu.enqueue_indirect_dma source(%arg8 : memref<128x128xf32, #tpu.memory_space<vmem>>) target(%dma_start3A_124 : memref<10008x128xf32, #tpu.memory_space<vmem_shared>>) offsets(%dma_start3A_121 : memref<128xi32, #tpu.memory_space<vmem>>) semaphore(%run_scoped3A : memref<!tpu.dma_semaphore, #tpu.memory_space<semaphore_mem>>) {add = true}
        %dma_wait3A_125 = arith.constant 0 : i32
        %dma_wait3A_126 = tpu.memref_slice %arg7[%mul3A_88, %dma_wait3A_125] : memref<40x128xi32, #tpu.memory_space<vmem>> -> memref<1x128xi32, #tpu.memory_space<vmem>>
        %dma_wait3A_127 = tpu.memref_squeeze %dma_wait3A_126 : memref<1x128xi32, #tpu.memory_space<vmem>> -> memref<128xi32, #tpu.memory_space<vmem>>
        %dma_wait3A_128 = arith.constant 0 : i32
        %dma_wait3A_129 = arith.constant 0 : i32
        %dma_wait3A_130 = tpu.memref_slice %arg10[%dma_wait3A_128, %dma_wait3A_129] : memref<10008x128xf32, #tpu.memory_space<vmem_shared>> -> memref<10008x128xf32, #tpu.memory_space<vmem_shared>>
        tpu.wait_indirect_dma semaphore(%run_scoped3A : memref<!tpu.dma_semaphore, #tpu.memory_space<semaphore_mem>>) src(%arg8 : memref<128x128xf32, #tpu.memory_space<vmem>>) dst(%dma_wait3A_130 : memref<10008x128xf32, #tpu.memory_space<vmem_shared>>)
        tpu.yield
      }) : () -> ()
      %add3A_102 = arith.constant 2 : i32
      %add3A_103 = arith.addi %mul3A_88, %add3A_102 : i32
      %lt3A = arith.constant 40 : i32
      %lt3A_104 = arith.cmpi slt, %add3A_103, %lt3A : i32
      %convert_element_type3A_105 = arith.extui %lt3A_104 : i1 to i32
      %cond3A_106 = arith.constant 0 : i32
      %cond3A_107 = arith.cmpi ne, %convert_element_type3A_105, %cond3A_106 : i32
      scf.if %cond3A_107 {
        %add3A_119 = arith.constant 2 : i32
        %add3A_120 = arith.addi %mul3A_88, %add3A_119 : i32
        %dma_start3A_121 = arith.constant 0 : i32
        %dma_start3A_122 = tpu.memref_slice %arg6[%add3A_120, %dma_start3A_121] : memref<40x128xi32, #tpu.memory_space<vmem>> -> memref<1x128xi32, #tpu.memory_space<vmem>>
        %dma_start3A_123 = tpu.memref_squeeze %dma_start3A_122 : memref<1x128xi32, #tpu.memory_space<vmem>> -> memref<128xi32, #tpu.memory_space<vmem>>
        %dma_start3A_124 = arith.constant 0 : i32
        %dma_start3A_125 = arith.constant 0 : i32
        %dma_start3A_126 = tpu.memref_slice %arg2[%dma_start3A_124, %dma_start3A_125] : memref<10000x128xf32, #tpu.memory_space<hbm>> -> memref<10000x128xf32, #tpu.memory_space<hbm>>
        tpu.enqueue_indirect_dma source(%dma_start3A_126 : memref<10000x128xf32, #tpu.memory_space<hbm>>) target(%arg8 : memref<128x128xf32, #tpu.memory_space<vmem>>) offsets(%dma_start3A_123 : memref<128xi32, #tpu.memory_space<vmem>>) semaphore(%arg11 : memref<!tpu.dma_semaphore, #tpu.memory_space<semaphore_mem>>)
      } else {
      }
      %add3A_108 = arith.constant 1 : i32
      %add3A_109 = arith.addi %mul3A_88, %add3A_108 : i32
      %dma_wait3A_110 = arith.constant 0 : i32
      %dma_wait3A_111 = tpu.memref_slice %arg6[%add3A_109, %dma_wait3A_110] : memref<40x128xi32, #tpu.memory_space<vmem>> -> memref<1x128xi32, #tpu.memory_space<vmem>>
      %dma_wait3A_112 = tpu.memref_squeeze %dma_wait3A_111 : memref<1x128xi32, #tpu.memory_space<vmem>> -> memref<128xi32, #tpu.memory_space<vmem>>
      %dma_wait3A_113 = arith.constant 0 : i32
      %dma_wait3A_114 = arith.constant 0 : i32
      %dma_wait3A_115 = tpu.memref_slice %arg2[%dma_wait3A_113, %dma_wait3A_114] : memref<10000x128xf32, #tpu.memory_space<hbm>> -> memref<10000x128xf32, #tpu.memory_space<hbm>>
      tpu.wait_indirect_dma semaphore(%arg12 : memref<!tpu.dma_semaphore, #tpu.memory_space<semaphore_mem>>) src(%dma_wait3A_115 : memref<10000x128xf32, #tpu.memory_space<hbm>>) dst(%arg9 : memref<128x128xf32, #tpu.memory_space<vmem>>)
      %add3A_116 = arith.constant 1 : i32
      %add3A_117 = arith.addi %mul3A_88, %add3A_116 : i32
      "tpu.region"() ({
        %run_scoped3A = tpu.sem_alloc : memref<!tpu.dma_semaphore, #tpu.memory_space<semaphore_mem>>
        %dma_start3A_119 = arith.constant 0 : i32
        %dma_start3A_120 = tpu.memref_slice %arg7[%add3A_117, %dma_start3A_119] : memref<40x128xi32, #tpu.memory_space<vmem>> -> memref<1x128xi32, #tpu.memory_space<vmem>>
        %dma_start3A_121 = tpu.memref_squeeze %dma_start3A_120 : memref<1x128xi32, #tpu.memory_space<vmem>> -> memref<128xi32, #tpu.memory_space<vmem>>
        %dma_start3A_122 = arith.constant 0 : i32
        %dma_start3A_123 = arith.constant 0 : i32
        %dma_start3A_124 = tpu.memref_slice %arg10[%dma_start3A_122, %dma_start3A_123] : memref<10008x128xf32, #tpu.memory_space<vmem_shared>> -> memref<10008x128xf32, #tpu.memory_space<vmem_shared>>
        tpu.enqueue_indirect_dma source(%arg9 : memref<128x128xf32, #tpu.memory_space<vmem>>) target(%dma_start3A_124 : memref<10008x128xf32, #tpu.memory_space<vmem_shared>>) offsets(%dma_start3A_121 : memref<128xi32, #tpu.memory_space<vmem>>) semaphore(%run_scoped3A : memref<!tpu.dma_semaphore, #tpu.memory_space<semaphore_mem>>) {add = true}
        %dma_wait3A_125 = arith.constant 0 : i32
        %dma_wait3A_126 = tpu.memref_slice %arg7[%add3A_117, %dma_wait3A_125] : memref<40x128xi32, #tpu.memory_space<vmem>> -> memref<1x128xi32, #tpu.memory_space<vmem>>
        %dma_wait3A_127 = tpu.memref_squeeze %dma_wait3A_126 : memref<1x128xi32, #tpu.memory_space<vmem>> -> memref<128xi32, #tpu.memory_space<vmem>>
        %dma_wait3A_128 = arith.constant 0 : i32
        %dma_wait3A_129 = arith.constant 0 : i32
        %dma_wait3A_130 = tpu.memref_slice %arg10[%dma_wait3A_128, %dma_wait3A_129] : memref<10008x128xf32, #tpu.memory_space<vmem_shared>> -> memref<10008x128xf32, #tpu.memory_space<vmem_shared>>
        tpu.wait_indirect_dma semaphore(%run_scoped3A : memref<!tpu.dma_semaphore, #tpu.memory_space<semaphore_mem>>) src(%arg9 : memref<128x128xf32, #tpu.memory_space<vmem>>) dst(%dma_wait3A_130 : memref<10008x128xf32, #tpu.memory_space<vmem_shared>>)
        tpu.yield
      }) : () -> ()
      %scan3A_118 = arith.constant 0 : i32
      scf.yield %scan3A_118 : i32
    }
    %scan3A_53 = arith.constant 20 : i32
    %barrier3A_54 = arith.constant 0 : index
    tpu.barrier barrier_id(%barrier3A_54)
    %mul3A_55 = arith.constant 624 : i32
    %mul3A_56 = arith.muli %arg1, %mul3A_55 : i32
    %add3A_57 = arith.constant 0 : i32
    %add3A_58 = arith.addi %mul3A_56, %add3A_57 : i32
    "tpu.region"() ({
      %run_scoped3A = tpu.sem_alloc : memref<!tpu.dma_semaphore, #tpu.memory_space<semaphore_mem>>
      %dma_start3A_85 = arith.constant 0 : i32
      %dma_start3A_86 = arith.constant 0 : i32
      %dma_start3A_87 = tpu.memref_slice %arg8[%dma_start3A_85, %dma_start3A_86] : memref<128x128xf32, #tpu.memory_space<vmem>> -> memref<96x128xf32, #tpu.memory_space<vmem>>
      %dma_start3A_88 = arith.constant 0 : i32
      %dma_start3A_89 = tpu.memref_slice %arg10[%add3A_58, %dma_start3A_88] : memref<10008x128xf32, #tpu.memory_space<vmem_shared>> -> memref<96x128xf32, #tpu.memory_space<vmem_shared>>
      %dma_start3A_90 = arith.constant 0 : i32
      %dma_start3A_91 = arith.constant 0 : i32
      %dma_start3A_92 = tpu.memref_slice %arg8[%dma_start3A_90, %dma_start3A_91] : memref<128x128xf32, #tpu.memory_space<vmem>> -> memref<96x128xf32, #tpu.memory_space<vmem>>
      %dma_start3A_93 = arith.constant 0 : i32
      %dma_start3A_94 = tpu.memref_slice %arg10[%add3A_58, %dma_start3A_93] : memref<10008x128xf32, #tpu.memory_space<vmem_shared>> -> memref<96x128xf32, #tpu.memory_space<vmem_shared>>
      tpu.enqueue_dma source(%dma_start3A_94 : memref<96x128xf32, #tpu.memory_space<vmem_shared>>) target(%dma_start3A_92 : memref<96x128xf32, #tpu.memory_space<vmem>>) target_semaphore(%run_scoped3A : memref<!tpu.dma_semaphore, #tpu.memory_space<semaphore_mem>>)
      %dma_wait3A = arith.constant 0 : i32
      %dma_wait3A_95 = arith.constant 0 : i32
      %dma_wait3A_96 = tpu.memref_slice %arg8[%dma_wait3A, %dma_wait3A_95] : memref<128x128xf32, #tpu.memory_space<vmem>> -> memref<96x128xf32, #tpu.memory_space<vmem>>
      %dma_wait3A_97 = arith.constant 0 : i32
      %dma_wait3A_98 = tpu.memref_slice %arg10[%add3A_58, %dma_wait3A_97] : memref<10008x128xf32, #tpu.memory_space<vmem_shared>> -> memref<96x128xf32, #tpu.memory_space<vmem_shared>>
      %dma_wait3A_99 = arith.constant 0 : i32
      %dma_wait3A_100 = arith.constant 0 : i32
      %dma_wait3A_101 = tpu.memref_slice %arg8[%dma_wait3A_99, %dma_wait3A_100] : memref<128x128xf32, #tpu.memory_space<vmem>> -> memref<96x128xf32, #tpu.memory_space<vmem>>
      %dma_wait3A_102 = arith.constant 0 : i32
      %dma_wait3A_103 = tpu.memref_slice %arg10[%add3A_58, %dma_wait3A_102] : memref<10008x128xf32, #tpu.memory_space<vmem_shared>> -> memref<96x128xf32, #tpu.memory_space<vmem_shared>>
      tpu.wait_dma2 semaphore(%run_scoped3A : memref<!tpu.dma_semaphore, #tpu.memory_space<semaphore_mem>>) src(%dma_wait3A_103 : memref<96x128xf32, #tpu.memory_space<vmem_shared>>) dst(%dma_wait3A_101 : memref<96x128xf32, #tpu.memory_space<vmem>>)
      tpu.yield
    }) : () -> ()
    "tpu.region"() ({
      %run_scoped3A = tpu.sem_alloc : memref<!tpu.dma_semaphore, #tpu.memory_space<semaphore_mem>>
      %dma_start3A_85 = arith.constant 0 : i32
      %dma_start3A_86 = arith.constant 0 : i32
      %dma_start3A_87 = tpu.memref_slice %arg8[%dma_start3A_85, %dma_start3A_86] : memref<128x128xf32, #tpu.memory_space<vmem>> -> memref<96x128xf32, #tpu.memory_space<vmem>>
      %dma_start3A_88 = arith.constant 0 : i32
      %dma_start3A_89 = tpu.memref_slice %arg5[%arg0, %add3A_58, %dma_start3A_88] : memref<2x10000x128xf32, #tpu.memory_space<hbm>> -> memref<1x96x128xf32, #tpu.memory_space<hbm>>
      %dma_start3A_90 = tpu.memref_squeeze %dma_start3A_89 : memref<1x96x128xf32, #tpu.memory_space<hbm>> -> memref<96x128xf32, #tpu.memory_space<hbm>>
      %dma_start3A_91 = arith.constant 0 : i32
      %dma_start3A_92 = tpu.memref_slice %arg5[%arg0, %add3A_58, %dma_start3A_91] : memref<2x10000x128xf32, #tpu.memory_space<hbm>> -> memref<1x96x128xf32, #tpu.memory_space<hbm>>
      %dma_start3A_93 = tpu.memref_squeeze %dma_start3A_92 : memref<1x96x128xf32, #tpu.memory_space<hbm>> -> memref<96x128xf32, #tpu.memory_space<hbm>>
      %dma_start3A_94 = arith.constant 0 : i32
      %dma_start3A_95 = arith.constant 0 : i32
      %dma_start3A_96 = tpu.memref_slice %arg8[%dma_start3A_94, %dma_start3A_95] : memref<128x128xf32, #tpu.memory_space<vmem>> -> memref<96x128xf32, #tpu.memory_space<vmem>>
      tpu.enqueue_dma source(%dma_start3A_96 : memref<96x128xf32, #tpu.memory_space<vmem>>) target(%dma_start3A_93 : memref<96x128xf32, #tpu.memory_space<hbm>>) target_semaphore(%run_scoped3A : memref<!tpu.dma_semaphore, #tpu.memory_space<semaphore_mem>>)
      %dma_wait3A = arith.constant 0 : i32
      %dma_wait3A_97 = arith.constant 0 : i32
      %dma_wait3A_98 = tpu.memref_slice %arg8[%dma_wait3A, %dma_wait3A_97] : memref<128x128xf32, #tpu.memory_space<vmem>> -> memref<96x128xf32, #tpu.memory_space<vmem>>
      %dma_wait3A_99 = arith.constant 0 : i32
      %dma_wait3A_100 = tpu.memref_slice %arg5[%arg0, %add3A_58, %dma_wait3A_99] : memref<2x10000x128xf32, #tpu.memory_space<hbm>> -> memref<1x96x128xf32, #tpu.memory_space<hbm>>
      %dma_wait3A_101 = tpu.memref_squeeze %dma_wait3A_100 : memref<1x96x128xf32, #tpu.memory_space<hbm>> -> memref<96x128xf32, #tpu.memory_space<hbm>>
      %dma_wait3A_102 = arith.constant 0 : i32
      %dma_wait3A_103 = tpu.memref_slice %arg5[%arg0, %add3A_58, %dma_wait3A_102] : memref<2x10000x128xf32, #tpu.memory_space<hbm>> -> memref<1x96x128xf32, #tpu.memory_space<hbm>>
      %dma_wait3A_104 = tpu.memref_squeeze %dma_wait3A_103 : memref<1x96x128xf32, #tpu.memory_space<hbm>> -> memref<96x128xf32, #tpu.memory_space<hbm>>
      %dma_wait3A_105 = arith.constant 0 : i32
      %dma_wait3A_106 = arith.constant 0 : i32
      %dma_wait3A_107 = tpu.memref_slice %arg8[%dma_wait3A_105, %dma_wait3A_106] : memref<128x128xf32, #tpu.memory_space<vmem>> -> memref<96x128xf32, #tpu.memory_space<vmem>>
      tpu.wait_dma2 semaphore(%run_scoped3A : memref<!tpu.dma_semaphore, #tpu.memory_space<semaphore_mem>>) src(%dma_wait3A_107 : memref<96x128xf32, #tpu.memory_space<vmem>>) dst(%dma_wait3A_104 : memref<96x128xf32, #tpu.memory_space<hbm>>)
      tpu.yield
    }) : () -> ()
    %mul3A_59 = arith.constant 624 : i32
    %mul3A_60 = arith.muli %arg1, %mul3A_59 : i32
    %add3A_61 = arith.constant 96 : i32
    %add3A_62 = arith.addi %mul3A_60, %add3A_61 : i32
    "tpu.region"() ({
      %run_scoped3A = tpu.sem_alloc : memref<!tpu.dma_semaphore, #tpu.memory_space<semaphore_mem>>
      %dma_start3A_85 = arith.constant 0 : i32
      %dma_start3A_86 = arith.constant 0 : i32
      %dma_start3A_87 = tpu.memref_slice %arg8[%dma_start3A_85, %dma_start3A_86] : memref<128x128xf32, #tpu.memory_space<vmem>> -> memref<96x128xf32, #tpu.memory_space<vmem>>
      %dma_start3A_88 = arith.constant 0 : i32
      %dma_start3A_89 = tpu.memref_slice %arg10[%add3A_62, %dma_start3A_88] : memref<10008x128xf32, #tpu.memory_space<vmem_shared>> -> memref<96x128xf32, #tpu.memory_space<vmem_shared>>
      %dma_start3A_90 = arith.constant 0 : i32
      %dma_start3A_91 = arith.constant 0 : i32
      %dma_start3A_92 = tpu.memref_slice %arg8[%dma_start3A_90, %dma_start3A_91] : memref<128x128xf32, #tpu.memory_space<vmem>> -> memref<96x128xf32, #tpu.memory_space<vmem>>
      %dma_start3A_93 = arith.constant 0 : i32
      %dma_start3A_94 = tpu.memref_slice %arg10[%add3A_62, %dma_start3A_93] : memref<10008x128xf32, #tpu.memory_space<vmem_shared>> -> memref<96x128xf32, #tpu.memory_space<vmem_shared>>
      tpu.enqueue_dma source(%dma_start3A_94 : memref<96x128xf32, #tpu.memory_space<vmem_shared>>) target(%dma_start3A_92 : memref<96x128xf32, #tpu.memory_space<vmem>>) target_semaphore(%run_scoped3A : memref<!tpu.dma_semaphore, #tpu.memory_space<semaphore_mem>>)
      %dma_wait3A = arith.constant 0 : i32
      %dma_wait3A_95 = arith.constant 0 : i32
      %dma_wait3A_96 = tpu.memref_slice %arg8[%dma_wait3A, %dma_wait3A_95] : memref<128x128xf32, #tpu.memory_space<vmem>> -> memref<96x128xf32, #tpu.memory_space<vmem>>
      %dma_wait3A_97 = arith.constant 0 : i32
      %dma_wait3A_98 = tpu.memref_slice %arg10[%add3A_62, %dma_wait3A_97] : memref<10008x128xf32, #tpu.memory_space<vmem_shared>> -> memref<96x128xf32, #tpu.memory_space<vmem_shared>>
      %dma_wait3A_99 = arith.constant 0 : i32
      %dma_wait3A_100 = arith.constant 0 : i32
      %dma_wait3A_101 = tpu.memref_slice %arg8[%dma_wait3A_99, %dma_wait3A_100] : memref<128x128xf32, #tpu.memory_space<vmem>> -> memref<96x128xf32, #tpu.memory_space<vmem>>
      %dma_wait3A_102 = arith.constant 0 : i32
      %dma_wait3A_103 = tpu.memref_slice %arg10[%add3A_62, %dma_wait3A_102] : memref<10008x128xf32, #tpu.memory_space<vmem_shared>> -> memref<96x128xf32, #tpu.memory_space<vmem_shared>>
      tpu.wait_dma2 semaphore(%run_scoped3A : memref<!tpu.dma_semaphore, #tpu.memory_space<semaphore_mem>>) src(%dma_wait3A_103 : memref<96x128xf32, #tpu.memory_space<vmem_shared>>) dst(%dma_wait3A_101 : memref<96x128xf32, #tpu.memory_space<vmem>>)
      tpu.yield
    }) : () -> ()
    "tpu.region"() ({
      %run_scoped3A = tpu.sem_alloc : memref<!tpu.dma_semaphore, #tpu.memory_space<semaphore_mem>>
      %dma_start3A_85 = arith.constant 0 : i32
      %dma_start3A_86 = arith.constant 0 : i32
      %dma_start3A_87 = tpu.memref_slice %arg8[%dma_start3A_85, %dma_start3A_86] : memref<128x128xf32, #tpu.memory_space<vmem>> -> memref<96x128xf32, #tpu.memory_space<vmem>>
      %dma_start3A_88 = arith.constant 0 : i32
      %dma_start3A_89 = tpu.memref_slice %arg5[%arg0, %add3A_62, %dma_start3A_88] : memref<2x10000x128xf32, #tpu.memory_space<hbm>> -> memref<1x96x128xf32, #tpu.memory_space<hbm>>
      %dma_start3A_90 = tpu.memref_squeeze %dma_start3A_89 : memref<1x96x128xf32, #tpu.memory_space<hbm>> -> memref<96x128xf32, #tpu.memory_space<hbm>>
      %dma_start3A_91 = arith.constant 0 : i32
      %dma_start3A_92 = tpu.memref_slice %arg5[%arg0, %add3A_62, %dma_start3A_91] : memref<2x10000x128xf32, #tpu.memory_space<hbm>> -> memref<1x96x128xf32, #tpu.memory_space<hbm>>
      %dma_start3A_93 = tpu.memref_squeeze %dma_start3A_92 : memref<1x96x128xf32, #tpu.memory_space<hbm>> -> memref<96x128xf32, #tpu.memory_space<hbm>>
      %dma_start3A_94 = arith.constant 0 : i32
      %dma_start3A_95 = arith.constant 0 : i32
      %dma_start3A_96 = tpu.memref_slice %arg8[%dma_start3A_94, %dma_start3A_95] : memref<128x128xf32, #tpu.memory_space<vmem>> -> memref<96x128xf32, #tpu.memory_space<vmem>>
      tpu.enqueue_dma source(%dma_start3A_96 : memref<96x128xf32, #tpu.memory_space<vmem>>) target(%dma_start3A_93 : memref<96x128xf32, #tpu.memory_space<hbm>>) target_semaphore(%run_scoped3A : memref<!tpu.dma_semaphore, #tpu.memory_space<semaphore_mem>>)
      %dma_wait3A = arith.constant 0 : i32
      %dma_wait3A_97 = arith.constant 0 : i32
      %dma_wait3A_98 = tpu.memref_slice %arg8[%dma_wait3A, %dma_wait3A_97] : memref<128x128xf32, #tpu.memory_space<vmem>> -> memref<96x128xf32, #tpu.memory_space<vmem>>
      %dma_wait3A_99 = arith.constant 0 : i32
      %dma_wait3A_100 = tpu.memref_slice %arg5[%arg0, %add3A_62, %dma_wait3A_99] : memref<2x10000x128xf32, #tpu.memory_space<hbm>> -> memref<1x96x128xf32, #tpu.memory_space<hbm>>
      %dma_wait3A_101 = tpu.memref_squeeze %dma_wait3A_100 : memref<1x96x128xf32, #tpu.memory_space<hbm>> -> memref<96x128xf32, #tpu.memory_space<hbm>>
      %dma_wait3A_102 = arith.constant 0 : i32
      %dma_wait3A_103 = tpu.memref_slice %arg5[%arg0, %add3A_62, %dma_wait3A_102] : memref<2x10000x128xf32, #tpu.memory_space<hbm>> -> memref<1x96x128xf32, #tpu.memory_space<hbm>>
      %dma_wait3A_104 = tpu.memref_squeeze %dma_wait3A_103 : memref<1x96x128xf32, #tpu.memory_space<hbm>> -> memref<96x128xf32, #tpu.memory_space<hbm>>
      %dma_wait3A_105 = arith.constant 0 : i32
      %dma_wait3A_106 = arith.constant 0 : i32
      %dma_wait3A_107 = tpu.memref_slice %arg8[%dma_wait3A_105, %dma_wait3A_106] : memref<128x128xf32, #tpu.memory_space<vmem>> -> memref<96x128xf32, #tpu.memory_space<vmem>>
      tpu.wait_dma2 semaphore(%run_scoped3A : memref<!tpu.dma_semaphore, #tpu.memory_space<semaphore_mem>>) src(%dma_wait3A_107 : memref<96x128xf32, #tpu.memory_space<vmem>>) dst(%dma_wait3A_104 : memref<96x128xf32, #tpu.memory_space<hbm>>)
      tpu.yield
    }) : () -> ()
    %mul3A_63 = arith.constant 624 : i32
    %mul3A_64 = arith.muli %arg1, %mul3A_63 : i32
    %add3A_65 = arith.constant 192 : i32
    %add3A_66 = arith.addi %mul3A_64, %add3A_65 : i32
    "tpu.region"() ({
      %run_scoped3A = tpu.sem_alloc : memref<!tpu.dma_semaphore, #tpu.memory_space<semaphore_mem>>
      %dma_start3A_85 = arith.constant 0 : i32
      %dma_start3A_86 = arith.constant 0 : i32
      %dma_start3A_87 = tpu.memref_slice %arg8[%dma_start3A_85, %dma_start3A_86] : memref<128x128xf32, #tpu.memory_space<vmem>> -> memref<96x128xf32, #tpu.memory_space<vmem>>
      %dma_start3A_88 = arith.constant 0 : i32
      %dma_start3A_89 = tpu.memref_slice %arg10[%add3A_66, %dma_start3A_88] : memref<10008x128xf32, #tpu.memory_space<vmem_shared>> -> memref<96x128xf32, #tpu.memory_space<vmem_shared>>
      %dma_start3A_90 = arith.constant 0 : i32
      %dma_start3A_91 = arith.constant 0 : i32
      %dma_start3A_92 = tpu.memref_slice %arg8[%dma_start3A_90, %dma_start3A_91] : memref<128x128xf32, #tpu.memory_space<vmem>> -> memref<96x128xf32, #tpu.memory_space<vmem>>
      %dma_start3A_93 = arith.constant 0 : i32
      %dma_start3A_94 = tpu.memref_slice %arg10[%add3A_66, %dma_start3A_93] : memref<10008x128xf32, #tpu.memory_space<vmem_shared>> -> memref<96x128xf32, #tpu.memory_space<vmem_shared>>
      tpu.enqueue_dma source(%dma_start3A_94 : memref<96x128xf32, #tpu.memory_space<vmem_shared>>) target(%dma_start3A_92 : memref<96x128xf32, #tpu.memory_space<vmem>>) target_semaphore(%run_scoped3A : memref<!tpu.dma_semaphore, #tpu.memory_space<semaphore_mem>>)
      %dma_wait3A = arith.constant 0 : i32
      %dma_wait3A_95 = arith.constant 0 : i32
      %dma_wait3A_96 = tpu.memref_slice %arg8[%dma_wait3A, %dma_wait3A_95] : memref<128x128xf32, #tpu.memory_space<vmem>> -> memref<96x128xf32, #tpu.memory_space<vmem>>
      %dma_wait3A_97 = arith.constant 0 : i32
      %dma_wait3A_98 = tpu.memref_slice %arg10[%add3A_66, %dma_wait3A_97] : memref<10008x128xf32, #tpu.memory_space<vmem_shared>> -> memref<96x128xf32, #tpu.memory_space<vmem_shared>>
      %dma_wait3A_99 = arith.constant 0 : i32
      %dma_wait3A_100 = arith.constant 0 : i32
      %dma_wait3A_101 = tpu.memref_slice %arg8[%dma_wait3A_99, %dma_wait3A_100] : memref<128x128xf32, #tpu.memory_space<vmem>> -> memref<96x128xf32, #tpu.memory_space<vmem>>
      %dma_wait3A_102 = arith.constant 0 : i32
      %dma_wait3A_103 = tpu.memref_slice %arg10[%add3A_66, %dma_wait3A_102] : memref<10008x128xf32, #tpu.memory_space<vmem_shared>> -> memref<96x128xf32, #tpu.memory_space<vmem_shared>>
      tpu.wait_dma2 semaphore(%run_scoped3A : memref<!tpu.dma_semaphore, #tpu.memory_space<semaphore_mem>>) src(%dma_wait3A_103 : memref<96x128xf32, #tpu.memory_space<vmem_shared>>) dst(%dma_wait3A_101 : memref<96x128xf32, #tpu.memory_space<vmem>>)
      tpu.yield
    }) : () -> ()
    "tpu.region"() ({
      %run_scoped3A = tpu.sem_alloc : memref<!tpu.dma_semaphore, #tpu.memory_space<semaphore_mem>>
      %dma_start3A_85 = arith.constant 0 : i32
      %dma_start3A_86 = arith.constant 0 : i32
      %dma_start3A_87 = tpu.memref_slice %arg8[%dma_start3A_85, %dma_start3A_86] : memref<128x128xf32, #tpu.memory_space<vmem>> -> memref<96x128xf32, #tpu.memory_space<vmem>>
      %dma_start3A_88 = arith.constant 0 : i32
      %dma_start3A_89 = tpu.memref_slice %arg5[%arg0, %add3A_66, %dma_start3A_88] : memref<2x10000x128xf32, #tpu.memory_space<hbm>> -> memref<1x96x128xf32, #tpu.memory_space<hbm>>
      %dma_start3A_90 = tpu.memref_squeeze %dma_start3A_89 : memref<1x96x128xf32, #tpu.memory_space<hbm>> -> memref<96x128xf32, #tpu.memory_space<hbm>>
      %dma_start3A_91 = arith.constant 0 : i32
      %dma_start3A_92 = tpu.memref_slice %arg5[%arg0, %add3A_66, %dma_start3A_91] : memref<2x10000x128xf32, #tpu.memory_space<hbm>> -> memref<1x96x128xf32, #tpu.memory_space<hbm>>
      %dma_start3A_93 = tpu.memref_squeeze %dma_start3A_92 : memref<1x96x128xf32, #tpu.memory_space<hbm>> -> memref<96x128xf32, #tpu.memory_space<hbm>>
      %dma_start3A_94 = arith.constant 0 : i32
      %dma_start3A_95 = arith.constant 0 : i32
      %dma_start3A_96 = tpu.memref_slice %arg8[%dma_start3A_94, %dma_start3A_95] : memref<128x128xf32, #tpu.memory_space<vmem>> -> memref<96x128xf32, #tpu.memory_space<vmem>>
      tpu.enqueue_dma source(%dma_start3A_96 : memref<96x128xf32, #tpu.memory_space<vmem>>) target(%dma_start3A_93 : memref<96x128xf32, #tpu.memory_space<hbm>>) target_semaphore(%run_scoped3A : memref<!tpu.dma_semaphore, #tpu.memory_space<semaphore_mem>>)
      %dma_wait3A = arith.constant 0 : i32
      %dma_wait3A_97 = arith.constant 0 : i32
      %dma_wait3A_98 = tpu.memref_slice %arg8[%dma_wait3A, %dma_wait3A_97] : memref<128x128xf32, #tpu.memory_space<vmem>> -> memref<96x128xf32, #tpu.memory_space<vmem>>
      %dma_wait3A_99 = arith.constant 0 : i32
      %dma_wait3A_100 = tpu.memref_slice %arg5[%arg0, %add3A_66, %dma_wait3A_99] : memref<2x10000x128xf32, #tpu.memory_space<hbm>> -> memref<1x96x128xf32, #tpu.memory_space<hbm>>
      %dma_wait3A_101 = tpu.memref_squeeze %dma_wait3A_100 : memref<1x96x128xf32, #tpu.memory_space<hbm>> -> memref<96x128xf32, #tpu.memory_space<hbm>>
      %dma_wait3A_102 = arith.constant 0 : i32
      %dma_wait3A_103 = tpu.memref_slice %arg5[%arg0, %add3A_66, %dma_wait3A_102] : memref<2x10000x128xf32, #tpu.memory_space<hbm>> -> memref<1x96x128xf32, #tpu.memory_space<hbm>>
      %dma_wait3A_104 = tpu.memref_squeeze %dma_wait3A_103 : memref<1x96x128xf32, #tpu.memory_space<hbm>> -> memref<96x128xf32, #tpu.memory_space<hbm>>
      %dma_wait3A_105 = arith.constant 0 : i32
      %dma_wait3A_106 = arith.constant 0 : i32
      %dma_wait3A_107 = tpu.memref_slice %arg8[%dma_wait3A_105, %dma_wait3A_106] : memref<128x128xf32, #tpu.memory_space<vmem>> -> memref<96x128xf32, #tpu.memory_space<vmem>>
      tpu.wait_dma2 semaphore(%run_scoped3A : memref<!tpu.dma_semaphore, #tpu.memory_space<semaphore_mem>>) src(%dma_wait3A_107 : memref<96x128xf32, #tpu.memory_space<vmem>>) dst(%dma_wait3A_104 : memref<96x128xf32, #tpu.memory_space<hbm>>)
      tpu.yield
    }) : () -> ()
    %mul3A_67 = arith.constant 624 : i32
    %mul3A_68 = arith.muli %arg1, %mul3A_67 : i32
    %add3A_69 = arith.constant 288 : i32
    %add3A_70 = arith.addi %mul3A_68, %add3A_69 : i32
    "tpu.region"() ({
      %run_scoped3A = tpu.sem_alloc : memref<!tpu.dma_semaphore, #tpu.memory_space<semaphore_mem>>
      %dma_start3A_85 = arith.constant 0 : i32
      %dma_start3A_86 = arith.constant 0 : i32
      %dma_start3A_87 = tpu.memref_slice %arg8[%dma_start3A_85, %dma_start3A_86] : memref<128x128xf32, #tpu.memory_space<vmem>> -> memref<96x128xf32, #tpu.memory_space<vmem>>
      %dma_start3A_88 = arith.constant 0 : i32
      %dma_start3A_89 = tpu.memref_slice %arg10[%add3A_70, %dma_start3A_88] : memref<10008x128xf32, #tpu.memory_space<vmem_shared>> -> memref<96x128xf32, #tpu.memory_space<vmem_shared>>
      %dma_start3A_90 = arith.constant 0 : i32
      %dma_start3A_91 = arith.constant 0 : i32
      %dma_start3A_92 = tpu.memref_slice %arg8[%dma_start3A_90, %dma_start3A_91] : memref<128x128xf32, #tpu.memory_space<vmem>> -> memref<96x128xf32, #tpu.memory_space<vmem>>
      %dma_start3A_93 = arith.constant 0 : i32
      %dma_start3A_94 = tpu.memref_slice %arg10[%add3A_70, %dma_start3A_93] : memref<10008x128xf32, #tpu.memory_space<vmem_shared>> -> memref<96x128xf32, #tpu.memory_space<vmem_shared>>
      tpu.enqueue_dma source(%dma_start3A_94 : memref<96x128xf32, #tpu.memory_space<vmem_shared>>) target(%dma_start3A_92 : memref<96x128xf32, #tpu.memory_space<vmem>>) target_semaphore(%run_scoped3A : memref<!tpu.dma_semaphore, #tpu.memory_space<semaphore_mem>>)
      %dma_wait3A = arith.constant 0 : i32
      %dma_wait3A_95 = arith.constant 0 : i32
      %dma_wait3A_96 = tpu.memref_slice %arg8[%dma_wait3A, %dma_wait3A_95] : memref<128x128xf32, #tpu.memory_space<vmem>> -> memref<96x128xf32, #tpu.memory_space<vmem>>
      %dma_wait3A_97 = arith.constant 0 : i32
      %dma_wait3A_98 = tpu.memref_slice %arg10[%add3A_70, %dma_wait3A_97] : memref<10008x128xf32, #tpu.memory_space<vmem_shared>> -> memref<96x128xf32, #tpu.memory_space<vmem_shared>>
      %dma_wait3A_99 = arith.constant 0 : i32
      %dma_wait3A_100 = arith.constant 0 : i32
      %dma_wait3A_101 = tpu.memref_slice %arg8[%dma_wait3A_99, %dma_wait3A_100] : memref<128x128xf32, #tpu.memory_space<vmem>> -> memref<96x128xf32, #tpu.memory_space<vmem>>
      %dma_wait3A_102 = arith.constant 0 : i32
      %dma_wait3A_103 = tpu.memref_slice %arg10[%add3A_70, %dma_wait3A_102] : memref<10008x128xf32, #tpu.memory_space<vmem_shared>> -> memref<96x128xf32, #tpu.memory_space<vmem_shared>>
      tpu.wait_dma2 semaphore(%run_scoped3A : memref<!tpu.dma_semaphore, #tpu.memory_space<semaphore_mem>>) src(%dma_wait3A_103 : memref<96x128xf32, #tpu.memory_space<vmem_shared>>) dst(%dma_wait3A_101 : memref<96x128xf32, #tpu.memory_space<vmem>>)
      tpu.yield
    }) : () -> ()
    "tpu.region"() ({
      %run_scoped3A = tpu.sem_alloc : memref<!tpu.dma_semaphore, #tpu.memory_space<semaphore_mem>>
      %dma_start3A_85 = arith.constant 0 : i32
      %dma_start3A_86 = arith.constant 0 : i32
      %dma_start3A_87 = tpu.memref_slice %arg8[%dma_start3A_85, %dma_start3A_86] : memref<128x128xf32, #tpu.memory_space<vmem>> -> memref<96x128xf32, #tpu.memory_space<vmem>>
      %dma_start3A_88 = arith.constant 0 : i32
      %dma_start3A_89 = tpu.memref_slice %arg5[%arg0, %add3A_70, %dma_start3A_88] : memref<2x10000x128xf32, #tpu.memory_space<hbm>> -> memref<1x96x128xf32, #tpu.memory_space<hbm>>
      %dma_start3A_90 = tpu.memref_squeeze %dma_start3A_89 : memref<1x96x128xf32, #tpu.memory_space<hbm>> -> memref<96x128xf32, #tpu.memory_space<hbm>>
      %dma_start3A_91 = arith.constant 0 : i32
      %dma_start3A_92 = tpu.memref_slice %arg5[%arg0, %add3A_70, %dma_start3A_91] : memref<2x10000x128xf32, #tpu.memory_space<hbm>> -> memref<1x96x128xf32, #tpu.memory_space<hbm>>
      %dma_start3A_93 = tpu.memref_squeeze %dma_start3A_92 : memref<1x96x128xf32, #tpu.memory_space<hbm>> -> memref<96x128xf32, #tpu.memory_space<hbm>>
      %dma_start3A_94 = arith.constant 0 : i32
      %dma_start3A_95 = arith.constant 0 : i32
      %dma_start3A_96 = tpu.memref_slice %arg8[%dma_start3A_94, %dma_start3A_95] : memref<128x128xf32, #tpu.memory_space<vmem>> -> memref<96x128xf32, #tpu.memory_space<vmem>>
      tpu.enqueue_dma source(%dma_start3A_96 : memref<96x128xf32, #tpu.memory_space<vmem>>) target(%dma_start3A_93 : memref<96x128xf32, #tpu.memory_space<hbm>>) target_semaphore(%run_scoped3A : memref<!tpu.dma_semaphore, #tpu.memory_space<semaphore_mem>>)
      %dma_wait3A = arith.constant 0 : i32
      %dma_wait3A_97 = arith.constant 0 : i32
      %dma_wait3A_98 = tpu.memref_slice %arg8[%dma_wait3A, %dma_wait3A_97] : memref<128x128xf32, #tpu.memory_space<vmem>> -> memref<96x128xf32, #tpu.memory_space<vmem>>
      %dma_wait3A_99 = arith.constant 0 : i32
      %dma_wait3A_100 = tpu.memref_slice %arg5[%arg0, %add3A_70, %dma_wait3A_99] : memref<2x10000x128xf32, #tpu.memory_space<hbm>> -> memref<1x96x128xf32, #tpu.memory_space<hbm>>
      %dma_wait3A_101 = tpu.memref_squeeze %dma_wait3A_100 : memref<1x96x128xf32, #tpu.memory_space<hbm>> -> memref<96x128xf32, #tpu.memory_space<hbm>>
      %dma_wait3A_102 = arith.constant 0 : i32
      %dma_wait3A_103 = tpu.memref_slice %arg5[%arg0, %add3A_70, %dma_wait3A_102] : memref<2x10000x128xf32, #tpu.memory_space<hbm>> -> memref<1x96x128xf32, #tpu.memory_space<hbm>>
      %dma_wait3A_104 = tpu.memref_squeeze %dma_wait3A_103 : memref<1x96x128xf32, #tpu.memory_space<hbm>> -> memref<96x128xf32, #tpu.memory_space<hbm>>
      %dma_wait3A_105 = arith.constant 0 : i32
      %dma_wait3A_106 = arith.constant 0 : i32
      %dma_wait3A_107 = tpu.memref_slice %arg8[%dma_wait3A_105, %dma_wait3A_106] : memref<128x128xf32, #tpu.memory_space<vmem>> -> memref<96x128xf32, #tpu.memory_space<vmem>>
      tpu.wait_dma2 semaphore(%run_scoped3A : memref<!tpu.dma_semaphore, #tpu.memory_space<semaphore_mem>>) src(%dma_wait3A_107 : memref<96x128xf32, #tpu.memory_space<vmem>>) dst(%dma_wait3A_104 : memref<96x128xf32, #tpu.memory_space<hbm>>)
      tpu.yield
    }) : () -> ()
    %mul3A_71 = arith.constant 624 : i32
    %mul3A_72 = arith.muli %arg1, %mul3A_71 : i32
    %add3A_73 = arith.constant 384 : i32
    %add3A_74 = arith.addi %mul3A_72, %add3A_73 : i32
    "tpu.region"() ({
      %run_scoped3A = tpu.sem_alloc : memref<!tpu.dma_semaphore, #tpu.memory_space<semaphore_mem>>
      %dma_start3A_85 = arith.constant 0 : i32
      %dma_start3A_86 = arith.constant 0 : i32
      %dma_start3A_87 = tpu.memref_slice %arg8[%dma_start3A_85, %dma_start3A_86] : memref<128x128xf32, #tpu.memory_space<vmem>> -> memref<96x128xf32, #tpu.memory_space<vmem>>
      %dma_start3A_88 = arith.constant 0 : i32
      %dma_start3A_89 = tpu.memref_slice %arg10[%add3A_74, %dma_start3A_88] : memref<10008x128xf32, #tpu.memory_space<vmem_shared>> -> memref<96x128xf32, #tpu.memory_space<vmem_shared>>
      %dma_start3A_90 = arith.constant 0 : i32
      %dma_start3A_91 = arith.constant 0 : i32
      %dma_start3A_92 = tpu.memref_slice %arg8[%dma_start3A_90, %dma_start3A_91] : memref<128x128xf32, #tpu.memory_space<vmem>> -> memref<96x128xf32, #tpu.memory_space<vmem>>
      %dma_start3A_93 = arith.constant 0 : i32
      %dma_start3A_94 = tpu.memref_slice %arg10[%add3A_74, %dma_start3A_93] : memref<10008x128xf32, #tpu.memory_space<vmem_shared>> -> memref<96x128xf32, #tpu.memory_space<vmem_shared>>
      tpu.enqueue_dma source(%dma_start3A_94 : memref<96x128xf32, #tpu.memory_space<vmem_shared>>) target(%dma_start3A_92 : memref<96x128xf32, #tpu.memory_space<vmem>>) target_semaphore(%run_scoped3A : memref<!tpu.dma_semaphore, #tpu.memory_space<semaphore_mem>>)
      %dma_wait3A = arith.constant 0 : i32
      %dma_wait3A_95 = arith.constant 0 : i32
      %dma_wait3A_96 = tpu.memref_slice %arg8[%dma_wait3A, %dma_wait3A_95] : memref<128x128xf32, #tpu.memory_space<vmem>> -> memref<96x128xf32, #tpu.memory_space<vmem>>
      %dma_wait3A_97 = arith.constant 0 : i32
      %dma_wait3A_98 = tpu.memref_slice %arg10[%add3A_74, %dma_wait3A_97] : memref<10008x128xf32, #tpu.memory_space<vmem_shared>> -> memref<96x128xf32, #tpu.memory_space<vmem_shared>>
      %dma_wait3A_99 = arith.constant 0 : i32
      %dma_wait3A_100 = arith.constant 0 : i32
      %dma_wait3A_101 = tpu.memref_slice %arg8[%dma_wait3A_99, %dma_wait3A_100] : memref<128x128xf32, #tpu.memory_space<vmem>> -> memref<96x128xf32, #tpu.memory_space<vmem>>
      %dma_wait3A_102 = arith.constant 0 : i32
      %dma_wait3A_103 = tpu.memref_slice %arg10[%add3A_74, %dma_wait3A_102] : memref<10008x128xf32, #tpu.memory_space<vmem_shared>> -> memref<96x128xf32, #tpu.memory_space<vmem_shared>>
      tpu.wait_dma2 semaphore(%run_scoped3A : memref<!tpu.dma_semaphore, #tpu.memory_space<semaphore_mem>>) src(%dma_wait3A_103 : memref<96x128xf32, #tpu.memory_space<vmem_shared>>) dst(%dma_wait3A_101 : memref<96x128xf32, #tpu.memory_space<vmem>>)
      tpu.yield
    }) : () -> ()
    "tpu.region"() ({
      %run_scoped3A = tpu.sem_alloc : memref<!tpu.dma_semaphore, #tpu.memory_space<semaphore_mem>>
      %dma_start3A_85 = arith.constant 0 : i32
      %dma_start3A_86 = arith.constant 0 : i32
      %dma_start3A_87 = tpu.memref_slice %arg8[%dma_start3A_85, %dma_start3A_86] : memref<128x128xf32, #tpu.memory_space<vmem>> -> memref<96x128xf32, #tpu.memory_space<vmem>>
      %dma_start3A_88 = arith.constant 0 : i32
      %dma_start3A_89 = tpu.memref_slice %arg5[%arg0, %add3A_74, %dma_start3A_88] : memref<2x10000x128xf32, #tpu.memory_space<hbm>> -> memref<1x96x128xf32, #tpu.memory_space<hbm>>
      %dma_start3A_90 = tpu.memref_squeeze %dma_start3A_89 : memref<1x96x128xf32, #tpu.memory_space<hbm>> -> memref<96x128xf32, #tpu.memory_space<hbm>>
      %dma_start3A_91 = arith.constant 0 : i32
      %dma_start3A_92 = tpu.memref_slice %arg5[%arg0, %add3A_74, %dma_start3A_91] : memref<2x10000x128xf32, #tpu.memory_space<hbm>> -> memref<1x96x128xf32, #tpu.memory_space<hbm>>
      %dma_start3A_93 = tpu.memref_squeeze %dma_start3A_92 : memref<1x96x128xf32, #tpu.memory_space<hbm>> -> memref<96x128xf32, #tpu.memory_space<hbm>>
      %dma_start3A_94 = arith.constant 0 : i32
      %dma_start3A_95 = arith.constant 0 : i32
      %dma_start3A_96 = tpu.memref_slice %arg8[%dma_start3A_94, %dma_start3A_95] : memref<128x128xf32, #tpu.memory_space<vmem>> -> memref<96x128xf32, #tpu.memory_space<vmem>>
      tpu.enqueue_dma source(%dma_start3A_96 : memref<96x128xf32, #tpu.memory_space<vmem>>) target(%dma_start3A_93 : memref<96x128xf32, #tpu.memory_space<hbm>>) target_semaphore(%run_scoped3A : memref<!tpu.dma_semaphore, #tpu.memory_space<semaphore_mem>>)
      %dma_wait3A = arith.constant 0 : i32
      %dma_wait3A_97 = arith.constant 0 : i32
      %dma_wait3A_98 = tpu.memref_slice %arg8[%dma_wait3A, %dma_wait3A_97] : memref<128x128xf32, #tpu.memory_space<vmem>> -> memref<96x128xf32, #tpu.memory_space<vmem>>
      %dma_wait3A_99 = arith.constant 0 : i32
      %dma_wait3A_100 = tpu.memref_slice %arg5[%arg0, %add3A_74, %dma_wait3A_99] : memref<2x10000x128xf32, #tpu.memory_space<hbm>> -> memref<1x96x128xf32, #tpu.memory_space<hbm>>
      %dma_wait3A_101 = tpu.memref_squeeze %dma_wait3A_100 : memref<1x96x128xf32, #tpu.memory_space<hbm>> -> memref<96x128xf32, #tpu.memory_space<hbm>>
      %dma_wait3A_102 = arith.constant 0 : i32
      %dma_wait3A_103 = tpu.memref_slice %arg5[%arg0, %add3A_74, %dma_wait3A_102] : memref<2x10000x128xf32, #tpu.memory_space<hbm>> -> memref<1x96x128xf32, #tpu.memory_space<hbm>>
      %dma_wait3A_104 = tpu.memref_squeeze %dma_wait3A_103 : memref<1x96x128xf32, #tpu.memory_space<hbm>> -> memref<96x128xf32, #tpu.memory_space<hbm>>
      %dma_wait3A_105 = arith.constant 0 : i32
      %dma_wait3A_106 = arith.constant 0 : i32
      %dma_wait3A_107 = tpu.memref_slice %arg8[%dma_wait3A_105, %dma_wait3A_106] : memref<128x128xf32, #tpu.memory_space<vmem>> -> memref<96x128xf32, #tpu.memory_space<vmem>>
      tpu.wait_dma2 semaphore(%run_scoped3A : memref<!tpu.dma_semaphore, #tpu.memory_space<semaphore_mem>>) src(%dma_wait3A_107 : memref<96x128xf32, #tpu.memory_space<vmem>>) dst(%dma_wait3A_104 : memref<96x128xf32, #tpu.memory_space<hbm>>)
      tpu.yield
    }) : () -> ()
    %mul3A_75 = arith.constant 624 : i32
    %mul3A_76 = arith.muli %arg1, %mul3A_75 : i32
    %add3A_77 = arith.constant 480 : i32
    %add3A_78 = arith.addi %mul3A_76, %add3A_77 : i32
    "tpu.region"() ({
      %run_scoped3A = tpu.sem_alloc : memref<!tpu.dma_semaphore, #tpu.memory_space<semaphore_mem>>
      %dma_start3A_85 = arith.constant 0 : i32
      %dma_start3A_86 = arith.constant 0 : i32
      %dma_start3A_87 = tpu.memref_slice %arg8[%dma_start3A_85, %dma_start3A_86] : memref<128x128xf32, #tpu.memory_space<vmem>> -> memref<96x128xf32, #tpu.memory_space<vmem>>
      %dma_start3A_88 = arith.constant 0 : i32
      %dma_start3A_89 = tpu.memref_slice %arg10[%add3A_78, %dma_start3A_88] : memref<10008x128xf32, #tpu.memory_space<vmem_shared>> -> memref<96x128xf32, #tpu.memory_space<vmem_shared>>
      %dma_start3A_90 = arith.constant 0 : i32
      %dma_start3A_91 = arith.constant 0 : i32
      %dma_start3A_92 = tpu.memref_slice %arg8[%dma_start3A_90, %dma_start3A_91] : memref<128x128xf32, #tpu.memory_space<vmem>> -> memref<96x128xf32, #tpu.memory_space<vmem>>
      %dma_start3A_93 = arith.constant 0 : i32
      %dma_start3A_94 = tpu.memref_slice %arg10[%add3A_78, %dma_start3A_93] : memref<10008x128xf32, #tpu.memory_space<vmem_shared>> -> memref<96x128xf32, #tpu.memory_space<vmem_shared>>
      tpu.enqueue_dma source(%dma_start3A_94 : memref<96x128xf32, #tpu.memory_space<vmem_shared>>) target(%dma_start3A_92 : memref<96x128xf32, #tpu.memory_space<vmem>>) target_semaphore(%run_scoped3A : memref<!tpu.dma_semaphore, #tpu.memory_space<semaphore_mem>>)
      %dma_wait3A = arith.constant 0 : i32
      %dma_wait3A_95 = arith.constant 0 : i32
      %dma_wait3A_96 = tpu.memref_slice %arg8[%dma_wait3A, %dma_wait3A_95] : memref<128x128xf32, #tpu.memory_space<vmem>> -> memref<96x128xf32, #tpu.memory_space<vmem>>
      %dma_wait3A_97 = arith.constant 0 : i32
      %dma_wait3A_98 = tpu.memref_slice %arg10[%add3A_78, %dma_wait3A_97] : memref<10008x128xf32, #tpu.memory_space<vmem_shared>> -> memref<96x128xf32, #tpu.memory_space<vmem_shared>>
      %dma_wait3A_99 = arith.constant 0 : i32
      %dma_wait3A_100 = arith.constant 0 : i32
      %dma_wait3A_101 = tpu.memref_slice %arg8[%dma_wait3A_99, %dma_wait3A_100] : memref<128x128xf32, #tpu.memory_space<vmem>> -> memref<96x128xf32, #tpu.memory_space<vmem>>
      %dma_wait3A_102 = arith.constant 0 : i32
      %dma_wait3A_103 = tpu.memref_slice %arg10[%add3A_78, %dma_wait3A_102] : memref<10008x128xf32, #tpu.memory_space<vmem_shared>> -> memref<96x128xf32, #tpu.memory_space<vmem_shared>>
      tpu.wait_dma2 semaphore(%run_scoped3A : memref<!tpu.dma_semaphore, #tpu.memory_space<semaphore_mem>>) src(%dma_wait3A_103 : memref<96x128xf32, #tpu.memory_space<vmem_shared>>) dst(%dma_wait3A_101 : memref<96x128xf32, #tpu.memory_space<vmem>>)
      tpu.yield
    }) : () -> ()
    "tpu.region"() ({
      %run_scoped3A = tpu.sem_alloc : memref<!tpu.dma_semaphore, #tpu.memory_space<semaphore_mem>>
      %dma_start3A_85 = arith.constant 0 : i32
      %dma_start3A_86 = arith.constant 0 : i32
      %dma_start3A_87 = tpu.memref_slice %arg8[%dma_start3A_85, %dma_start3A_86] : memref<128x128xf32, #tpu.memory_space<vmem>> -> memref<96x128xf32, #tpu.memory_space<vmem>>
      %dma_start3A_88 = arith.constant 0 : i32
      %dma_start3A_89 = tpu.memref_slice %arg5[%arg0, %add3A_78, %dma_start3A_88] : memref<2x10000x128xf32, #tpu.memory_space<hbm>> -> memref<1x96x128xf32, #tpu.memory_space<hbm>>
      %dma_start3A_90 = tpu.memref_squeeze %dma_start3A_89 : memref<1x96x128xf32, #tpu.memory_space<hbm>> -> memref<96x128xf32, #tpu.memory_space<hbm>>
      %dma_start3A_91 = arith.constant 0 : i32
      %dma_start3A_92 = tpu.memref_slice %arg5[%arg0, %add3A_78, %dma_start3A_91] : memref<2x10000x128xf32, #tpu.memory_space<hbm>> -> memref<1x96x128xf32, #tpu.memory_space<hbm>>
      %dma_start3A_93 = tpu.memref_squeeze %dma_start3A_92 : memref<1x96x128xf32, #tpu.memory_space<hbm>> -> memref<96x128xf32, #tpu.memory_space<hbm>>
      %dma_start3A_94 = arith.constant 0 : i32
      %dma_start3A_95 = arith.constant 0 : i32
      %dma_start3A_96 = tpu.memref_slice %arg8[%dma_start3A_94, %dma_start3A_95] : memref<128x128xf32, #tpu.memory_space<vmem>> -> memref<96x128xf32, #tpu.memory_space<vmem>>
      tpu.enqueue_dma source(%dma_start3A_96 : memref<96x128xf32, #tpu.memory_space<vmem>>) target(%dma_start3A_93 : memref<96x128xf32, #tpu.memory_space<hbm>>) target_semaphore(%run_scoped3A : memref<!tpu.dma_semaphore, #tpu.memory_space<semaphore_mem>>)
      %dma_wait3A = arith.constant 0 : i32
      %dma_wait3A_97 = arith.constant 0 : i32
      %dma_wait3A_98 = tpu.memref_slice %arg8[%dma_wait3A, %dma_wait3A_97] : memref<128x128xf32, #tpu.memory_space<vmem>> -> memref<96x128xf32, #tpu.memory_space<vmem>>
      %dma_wait3A_99 = arith.constant 0 : i32
      %dma_wait3A_100 = tpu.memref_slice %arg5[%arg0, %add3A_78, %dma_wait3A_99] : memref<2x10000x128xf32, #tpu.memory_space<hbm>> -> memref<1x96x128xf32, #tpu.memory_space<hbm>>
      %dma_wait3A_101 = tpu.memref_squeeze %dma_wait3A_100 : memref<1x96x128xf32, #tpu.memory_space<hbm>> -> memref<96x128xf32, #tpu.memory_space<hbm>>
      %dma_wait3A_102 = arith.constant 0 : i32
      %dma_wait3A_103 = tpu.memref_slice %arg5[%arg0, %add3A_78, %dma_wait3A_102] : memref<2x10000x128xf32, #tpu.memory_space<hbm>> -> memref<1x96x128xf32, #tpu.memory_space<hbm>>
      %dma_wait3A_104 = tpu.memref_squeeze %dma_wait3A_103 : memref<1x96x128xf32, #tpu.memory_space<hbm>> -> memref<96x128xf32, #tpu.memory_space<hbm>>
      %dma_wait3A_105 = arith.constant 0 : i32
      %dma_wait3A_106 = arith.constant 0 : i32
      %dma_wait3A_107 = tpu.memref_slice %arg8[%dma_wait3A_105, %dma_wait3A_106] : memref<128x128xf32, #tpu.memory_space<vmem>> -> memref<96x128xf32, #tpu.memory_space<vmem>>
      tpu.wait_dma2 semaphore(%run_scoped3A : memref<!tpu.dma_semaphore, #tpu.memory_space<semaphore_mem>>) src(%dma_wait3A_107 : memref<96x128xf32, #tpu.memory_space<vmem>>) dst(%dma_wait3A_104 : memref<96x128xf32, #tpu.memory_space<hbm>>)
      tpu.yield
    }) : () -> ()
    %mul3A_79 = arith.constant 624 : i32
    %mul3A_80 = arith.muli %arg1, %mul3A_79 : i32
    %add3A_81 = arith.constant 576 : i32
    %add3A_82 = arith.addi %mul3A_80, %add3A_81 : i32
    "tpu.region"() ({
      %run_scoped3A = tpu.sem_alloc : memref<!tpu.dma_semaphore, #tpu.memory_space<semaphore_mem>>
      %dma_start3A_85 = arith.constant 0 : i32
      %dma_start3A_86 = arith.constant 0 : i32
      %dma_start3A_87 = tpu.memref_slice %arg8[%dma_start3A_85, %dma_start3A_86] : memref<128x128xf32, #tpu.memory_space<vmem>> -> memref<48x128xf32, #tpu.memory_space<vmem>>
      %dma_start3A_88 = arith.constant 0 : i32
      %dma_start3A_89 = tpu.memref_slice %arg10[%add3A_82, %dma_start3A_88] : memref<10008x128xf32, #tpu.memory_space<vmem_shared>> -> memref<48x128xf32, #tpu.memory_space<vmem_shared>>
      %dma_start3A_90 = arith.constant 0 : i32
      %dma_start3A_91 = arith.constant 0 : i32
      %dma_start3A_92 = tpu.memref_slice %arg8[%dma_start3A_90, %dma_start3A_91] : memref<128x128xf32, #tpu.memory_space<vmem>> -> memref<48x128xf32, #tpu.memory_space<vmem>>
      %dma_start3A_93 = arith.constant 0 : i32
      %dma_start3A_94 = tpu.memref_slice %arg10[%add3A_82, %dma_start3A_93] : memref<10008x128xf32, #tpu.memory_space<vmem_shared>> -> memref<48x128xf32, #tpu.memory_space<vmem_shared>>
      tpu.enqueue_dma source(%dma_start3A_94 : memref<48x128xf32, #tpu.memory_space<vmem_shared>>) target(%dma_start3A_92 : memref<48x128xf32, #tpu.memory_space<vmem>>) target_semaphore(%run_scoped3A : memref<!tpu.dma_semaphore, #tpu.memory_space<semaphore_mem>>)
      %dma_wait3A = arith.constant 0 : i32
      %dma_wait3A_95 = arith.constant 0 : i32
      %dma_wait3A_96 = tpu.memref_slice %arg8[%dma_wait3A, %dma_wait3A_95] : memref<128x128xf32, #tpu.memory_space<vmem>> -> memref<48x128xf32, #tpu.memory_space<vmem>>
      %dma_wait3A_97 = arith.constant 0 : i32
      %dma_wait3A_98 = tpu.memref_slice %arg10[%add3A_82, %dma_wait3A_97] : memref<10008x128xf32, #tpu.memory_space<vmem_shared>> -> memref<48x128xf32, #tpu.memory_space<vmem_shared>>
      %dma_wait3A_99 = arith.constant 0 : i32
      %dma_wait3A_100 = arith.constant 0 : i32
      %dma_wait3A_101 = tpu.memref_slice %arg8[%dma_wait3A_99, %dma_wait3A_100] : memref<128x128xf32, #tpu.memory_space<vmem>> -> memref<48x128xf32, #tpu.memory_space<vmem>>
      %dma_wait3A_102 = arith.constant 0 : i32
      %dma_wait3A_103 = tpu.memref_slice %arg10[%add3A_82, %dma_wait3A_102] : memref<10008x128xf32, #tpu.memory_space<vmem_shared>> -> memref<48x128xf32, #tpu.memory_space<vmem_shared>>
      tpu.wait_dma2 semaphore(%run_scoped3A : memref<!tpu.dma_semaphore, #tpu.memory_space<semaphore_mem>>) src(%dma_wait3A_103 : memref<48x128xf32, #tpu.memory_space<vmem_shared>>) dst(%dma_wait3A_101 : memref<48x128xf32, #tpu.memory_space<vmem>>)
      tpu.yield
    }) : () -> ()
    "tpu.region"() ({
      %run_scoped3A = tpu.sem_alloc : memref<!tpu.dma_semaphore, #tpu.memory_space<semaphore_mem>>
      %dma_start3A_85 = arith.constant 0 : i32
      %dma_start3A_86 = arith.constant 0 : i32
      %dma_start3A_87 = tpu.memref_slice %arg8[%dma_start3A_85, %dma_start3A_86] : memref<128x128xf32, #tpu.memory_space<vmem>> -> memref<48x128xf32, #tpu.memory_space<vmem>>
      %dma_start3A_88 = arith.constant 0 : i32
      %dma_start3A_89 = tpu.memref_slice %arg5[%arg0, %add3A_82, %dma_start3A_88] : memref<2x10000x128xf32, #tpu.memory_space<hbm>> -> memref<1x48x128xf32, #tpu.memory_space<hbm>>
      %dma_start3A_90 = tpu.memref_squeeze %dma_start3A_89 : memref<1x48x128xf32, #tpu.memory_space<hbm>> -> memref<48x128xf32, #tpu.memory_space<hbm>>
      %dma_start3A_91 = arith.constant 0 : i32
      %dma_start3A_92 = tpu.memref_slice %arg5[%arg0, %add3A_82, %dma_start3A_91] : memref<2x10000x128xf32, #tpu.memory_space<hbm>> -> memref<1x48x128xf32, #tpu.memory_space<hbm>>
      %dma_start3A_93 = tpu.memref_squeeze %dma_start3A_92 : memref<1x48x128xf32, #tpu.memory_space<hbm>> -> memref<48x128xf32, #tpu.memory_space<hbm>>
      %dma_start3A_94 = arith.constant 0 : i32
      %dma_start3A_95 = arith.constant 0 : i32
      %dma_start3A_96 = tpu.memref_slice %arg8[%dma_start3A_94, %dma_start3A_95] : memref<128x128xf32, #tpu.memory_space<vmem>> -> memref<48x128xf32, #tpu.memory_space<vmem>>
      tpu.enqueue_dma source(%dma_start3A_96 : memref<48x128xf32, #tpu.memory_space<vmem>>) target(%dma_start3A_93 : memref<48x128xf32, #tpu.memory_space<hbm>>) target_semaphore(%run_scoped3A : memref<!tpu.dma_semaphore, #tpu.memory_space<semaphore_mem>>)
      %dma_wait3A = arith.constant 0 : i32
      %dma_wait3A_97 = arith.constant 0 : i32
      %dma_wait3A_98 = tpu.memref_slice %arg8[%dma_wait3A, %dma_wait3A_97] : memref<128x128xf32, #tpu.memory_space<vmem>> -> memref<48x128xf32, #tpu.memory_space<vmem>>
      %dma_wait3A_99 = arith.constant 0 : i32
      %dma_wait3A_100 = tpu.memref_slice %arg5[%arg0, %add3A_82, %dma_wait3A_99] : memref<2x10000x128xf32, #tpu.memory_space<hbm>> -> memref<1x48x128xf32, #tpu.memory_space<hbm>>
      %dma_wait3A_101 = tpu.memref_squeeze %dma_wait3A_100 : memref<1x48x128xf32, #tpu.memory_space<hbm>> -> memref<48x128xf32, #tpu.memory_space<hbm>>
      %dma_wait3A_102 = arith.constant 0 : i32
      %dma_wait3A_103 = tpu.memref_slice %arg5[%arg0, %add3A_82, %dma_wait3A_102] : memref<2x10000x128xf32, #tpu.memory_space<hbm>> -> memref<1x48x128xf32, #tpu.memory_space<hbm>>
      %dma_wait3A_104 = tpu.memref_squeeze %dma_wait3A_103 : memref<1x48x128xf32, #tpu.memory_space<hbm>> -> memref<48x128xf32, #tpu.memory_space<hbm>>
      %dma_wait3A_105 = arith.constant 0 : i32
      %dma_wait3A_106 = arith.constant 0 : i32
      %dma_wait3A_107 = tpu.memref_slice %arg8[%dma_wait3A_105, %dma_wait3A_106] : memref<128x128xf32, #tpu.memory_space<vmem>> -> memref<48x128xf32, #tpu.memory_space<vmem>>
      tpu.wait_dma2 semaphore(%run_scoped3A : memref<!tpu.dma_semaphore, #tpu.memory_space<semaphore_mem>>) src(%dma_wait3A_107 : memref<48x128xf32, #tpu.memory_space<vmem>>) dst(%dma_wait3A_104 : memref<48x128xf32, #tpu.memory_space<hbm>>)
      tpu.yield
    }) : () -> ()
    %eq3A = arith.constant 0 : i32
    %eq3A_83 = arith.cmpi eq, %arg1, %eq3A : i32
    %convert_element_type3A = arith.extui %eq3A_83 : i1 to i32
    %cond3A = arith.constant 0 : i32
    %cond3A_84 = arith.cmpi ne, %convert_element_type3A, %cond3A : i32
    scf.if %cond3A_84 {
      "tpu.region"() ({
        %run_scoped3A = tpu.sem_alloc : memref<!tpu.dma_semaphore, #tpu.memory_space<semaphore_mem>>
        %dma_start3A_85 = arith.constant 0 : i32
        %dma_start3A_86 = arith.constant 0 : i32
        %dma_start3A_87 = tpu.memref_slice %arg8[%dma_start3A_85, %dma_start3A_86] : memref<128x128xf32, #tpu.memory_space<vmem>> -> memref<16x128xf32, #tpu.memory_space<vmem>>
        %dma_start3A_88 = arith.constant 9984 : i32
        %dma_start3A_89 = arith.constant 0 : i32
        %dma_start3A_90 = tpu.memref_slice %arg10[%dma_start3A_88, %dma_start3A_89] : memref<10008x128xf32, #tpu.memory_space<vmem_shared>> -> memref<16x128xf32, #tpu.memory_space<vmem_shared>>
        %dma_start3A_91 = arith.constant 0 : i32
        %dma_start3A_92 = arith.constant 0 : i32
        %dma_start3A_93 = tpu.memref_slice %arg8[%dma_start3A_91, %dma_start3A_92] : memref<128x128xf32, #tpu.memory_space<vmem>> -> memref<16x128xf32, #tpu.memory_space<vmem>>
        %dma_start3A_94 = arith.constant 9984 : i32
        %dma_start3A_95 = arith.constant 0 : i32
        %dma_start3A_96 = tpu.memref_slice %arg10[%dma_start3A_94, %dma_start3A_95] : memref<10008x128xf32, #tpu.memory_space<vmem_shared>> -> memref<16x128xf32, #tpu.memory_space<vmem_shared>>
        tpu.enqueue_dma source(%dma_start3A_96 : memref<16x128xf32, #tpu.memory_space<vmem_shared>>) target(%dma_start3A_93 : memref<16x128xf32, #tpu.memory_space<vmem>>) target_semaphore(%run_scoped3A : memref<!tpu.dma_semaphore, #tpu.memory_space<semaphore_mem>>)
        %dma_wait3A = arith.constant 0 : i32
        %dma_wait3A_97 = arith.constant 0 : i32
        %dma_wait3A_98 = tpu.memref_slice %arg8[%dma_wait3A, %dma_wait3A_97] : memref<128x128xf32, #tpu.memory_space<vmem>> -> memref<16x128xf32, #tpu.memory_space<vmem>>
        %dma_wait3A_99 = arith.constant 9984 : i32
        %dma_wait3A_100 = arith.constant 0 : i32
        %dma_wait3A_101 = tpu.memref_slice %arg10[%dma_wait3A_99, %dma_wait3A_100] : memref<10008x128xf32, #tpu.memory_space<vmem_shared>> -> memref<16x128xf32, #tpu.memory_space<vmem_shared>>
        %dma_wait3A_102 = arith.constant 0 : i32
        %dma_wait3A_103 = arith.constant 0 : i32
        %dma_wait3A_104 = tpu.memref_slice %arg8[%dma_wait3A_102, %dma_wait3A_103] : memref<128x128xf32, #tpu.memory_space<vmem>> -> memref<16x128xf32, #tpu.memory_space<vmem>>
        %dma_wait3A_105 = arith.constant 9984 : i32
        %dma_wait3A_106 = arith.constant 0 : i32
        %dma_wait3A_107 = tpu.memref_slice %arg10[%dma_wait3A_105, %dma_wait3A_106] : memref<10008x128xf32, #tpu.memory_space<vmem_shared>> -> memref<16x128xf32, #tpu.memory_space<vmem_shared>>
        tpu.wait_dma2 semaphore(%run_scoped3A : memref<!tpu.dma_semaphore, #tpu.memory_space<semaphore_mem>>) src(%dma_wait3A_107 : memref<16x128xf32, #tpu.memory_space<vmem_shared>>) dst(%dma_wait3A_104 : memref<16x128xf32, #tpu.memory_space<vmem>>)
        tpu.yield
      }) : () -> ()
      "tpu.region"() ({
        %run_scoped3A = tpu.sem_alloc : memref<!tpu.dma_semaphore, #tpu.memory_space<semaphore_mem>>
        %dma_start3A_85 = arith.constant 0 : i32
        %dma_start3A_86 = arith.constant 0 : i32
        %dma_start3A_87 = tpu.memref_slice %arg8[%dma_start3A_85, %dma_start3A_86] : memref<128x128xf32, #tpu.memory_space<vmem>> -> memref<16x128xf32, #tpu.memory_space<vmem>>
        %dma_start3A_88 = arith.constant 9984 : i32
        %dma_start3A_89 = arith.constant 0 : i32
        %dma_start3A_90 = tpu.memref_slice %arg5[%arg0, %dma_start3A_88, %dma_start3A_89] : memref<2x10000x128xf32, #tpu.memory_space<hbm>> -> memref<1x16x128xf32, #tpu.memory_space<hbm>>
        %dma_start3A_91 = tpu.memref_squeeze %dma_start3A_90 : memref<1x16x128xf32, #tpu.memory_space<hbm>> -> memref<16x128xf32, #tpu.memory_space<hbm>>
        %dma_start3A_92 = arith.constant 9984 : i32
        %dma_start3A_93 = arith.constant 0 : i32
        %dma_start3A_94 = tpu.memref_slice %arg5[%arg0, %dma_start3A_92, %dma_start3A_93] : memref<2x10000x128xf32, #tpu.memory_space<hbm>> -> memref<1x16x128xf32, #tpu.memory_space<hbm>>
        %dma_start3A_95 = tpu.memref_squeeze %dma_start3A_94 : memref<1x16x128xf32, #tpu.memory_space<hbm>> -> memref<16x128xf32, #tpu.memory_space<hbm>>
        %dma_start3A_96 = arith.constant 0 : i32
        %dma_start3A_97 = arith.constant 0 : i32
        %dma_start3A_98 = tpu.memref_slice %arg8[%dma_start3A_96, %dma_start3A_97] : memref<128x128xf32, #tpu.memory_space<vmem>> -> memref<16x128xf32, #tpu.memory_space<vmem>>
        tpu.enqueue_dma source(%dma_start3A_98 : memref<16x128xf32, #tpu.memory_space<vmem>>) target(%dma_start3A_95 : memref<16x128xf32, #tpu.memory_space<hbm>>) target_semaphore(%run_scoped3A : memref<!tpu.dma_semaphore, #tpu.memory_space<semaphore_mem>>)
        %dma_wait3A = arith.constant 0 : i32
        %dma_wait3A_99 = arith.constant 0 : i32
        %dma_wait3A_100 = tpu.memref_slice %arg8[%dma_wait3A, %dma_wait3A_99] : memref<128x128xf32, #tpu.memory_space<vmem>> -> memref<16x128xf32, #tpu.memory_space<vmem>>
        %dma_wait3A_101 = arith.constant 9984 : i32
        %dma_wait3A_102 = arith.constant 0 : i32
        %dma_wait3A_103 = tpu.memref_slice %arg5[%arg0, %dma_wait3A_101, %dma_wait3A_102] : memref<2x10000x128xf32, #tpu.memory_space<hbm>> -> memref<1x16x128xf32, #tpu.memory_space<hbm>>
        %dma_wait3A_104 = tpu.memref_squeeze %dma_wait3A_103 : memref<1x16x128xf32, #tpu.memory_space<hbm>> -> memref<16x128xf32, #tpu.memory_space<hbm>>
        %dma_wait3A_105 = arith.constant 9984 : i32
        %dma_wait3A_106 = arith.constant 0 : i32
        %dma_wait3A_107 = tpu.memref_slice %arg5[%arg0, %dma_wait3A_105, %dma_wait3A_106] : memref<2x10000x128xf32, #tpu.memory_space<hbm>> -> memref<1x16x128xf32, #tpu.memory_space<hbm>>
        %dma_wait3A_108 = tpu.memref_squeeze %dma_wait3A_107 : memref<1x16x128xf32, #tpu.memory_space<hbm>> -> memref<16x128xf32, #tpu.memory_space<hbm>>
        %dma_wait3A_109 = arith.constant 0 : i32
        %dma_wait3A_110 = arith.constant 0 : i32
        %dma_wait3A_111 = tpu.memref_slice %arg8[%dma_wait3A_109, %dma_wait3A_110] : memref<128x128xf32, #tpu.memory_space<vmem>> -> memref<16x128xf32, #tpu.memory_space<vmem>>
        tpu.wait_dma2 semaphore(%run_scoped3A : memref<!tpu.dma_semaphore, #tpu.memory_space<semaphore_mem>>) src(%dma_wait3A_111 : memref<16x128xf32, #tpu.memory_space<vmem>>) dst(%dma_wait3A_108 : memref<16x128xf32, #tpu.memory_space<hbm>>)
        tpu.yield
      }) : () -> ()
    } else {
    }
    return
  }
}

</mosaic_0001>

<sc_bundles>
// kernel: _sc_agg.3.cloned.1.call-start
scs
__scs_entry_jumppad:
0x0: {  	(pc) =	sbr.rel $0x88, $3  }
0x1: {  	(tag) =	ssettag $0x0;
	lr =	simm.s32 $0x1  }
0x2: {  	[smem:$0x3F9E] =	sst lr;
	_ =	strace $0xD0000000  }
0x3: {  	_ = 	snop  }
0x4: {  	_ = 	snop  }
0x5: {  	_ = 	snop  }
0x6: {  	_ = 	snop  }
0x7: {  	_ = 	snop  }
__scs_overlays_trampoline_lowered:
0x8: {  	[smem:$0x3FAD] =	sst s0  }
0x9: {  	[smem:$0x3FAE] =	sst s1  }
0xa: {  	[smem:$0x3FAF] =	sst s2  }
0xb: {  	[smem:$0x3FB0] =	sst s3  }
0xc: {  	[smem:$0x3FB1] =	sst s4  }
0xd: {  	[smem:$0x3FB2] =	sst s5  }
0xe: {  	[smem:$0x3FB3] =	sst s6  }
0xf: {  	[smem:$0x3FB4] =	sst s7  }
0x10: {  	[smem:$0x3FB5] =	sst s8  }
0x11: {  	[smem:$0x3FB6] =	sst s9;
	s0 =	simm.s32 @!p0 $0x0  }
0x12: {  	s1 =	sld [smem:$0x3F9C];
	s0 =	simm.s32 @p0 $0x1  }
0x13: {  	[smem:$0x3FB7] =	sst s0;
	s0 =	simm.s32 @!p1 $0x0  }
0x14: {  	s2 =	sld [smem:$0x3F9B];
	s0 =	simm.s32 @p1 $0x1  }
0x15: {  	[smem:$0x3FB8] =	sst s0;
	s0 =	simm.s32 @!p2 $0x0  }
0x16: {  	s3 =	sld [smem:$0x3FDB];
	s0 =	simm.s32 @p2 $0x1  }
0x17: {  	s4 =	simm.s32 $0x1BF5;
	[smem:$0x3FBA] =	sst s0  }
0x18: {  	s0 =	sld [smem:$0x3F9D];
	_ =	swait.ge [sflag:s4], $0x0  }
0x19: {  	s7 =	sld [smem:$0x3F9E]  }
0x1a: {  	s8 =	sadd.s32 $0xFFFFE003, lr  }
0x1b: {  	s9 =	sadd.s32 $0xFFFFFEF7, lr;
	s5 =	simm.s32 $0xFFFFFFFF;
	p2 =	slt.u32 s8, $0xFFFFF086  }
0x1c: {  	p1 =	slt.u32 s9, $0xF7A;
	s5 =	simm.s32 @!p2 $0x0  }
0x1d: {  	s5 =	simm.s32 @p1 $0x1;
	p0 =	seq.s32 s7, s2  }
0x1e: {  	s7 =	smul.u32 @!p0 $0xF7A, s2;
	p2 =	seq.s32 @!p0 s5, $0x0  }
0x1f: {  	s9 =	smul.u32 $0xF7A, s1;
	s8 =	simm.s32 @!p0 $0x1BF5;
	p2 =	por !p2, p0  }
0x20: {  	[sflag:s8] =	ssyncset.s32 @!p0 $0xFFFFF086;
	s6 =	sadd.s32 @!p0 s3, s7;
	s7 =	simm.s32 @!p0 $0x108  }
0x21: {  	s3 =	sadd.s32 s3, s9;
	s6 =	sadd.s32 @!p0 $0x88, s6;
	s7 =	simm.s32 @p2 $0x1082  }
0x22: {  	[simem:s7], [sflag:s8] =	dma.local @!p0 [hbm:s6], $0xF7A  }
0x23: {  	s9 =	sor.u32 $0xD0000000, s2;
	s6 =	simm.s32 $0x108;
	_ =	swait.ge @!p0 [sflag:s8], $0x0  }
0x24: {  	s3 =	sadd.s32 $0x88, s3;
	s6 =	simm.s32 @!p1 $0x1082;
	[sflag:s4] =	ssyncset.s32 $0xFFFFF086  }
0x25: {  	[simem:s6], [sflag:s4] =	dma.local [hbm:s3], $0xF7A  }
0x26: {  	[smem:$0x3F9E] =	sst s1;
	(tag) =	ssettag s2;
	_ =	strace s9  }
0x27: {  	s1 =	sld [smem:$0x3FAE]  }
0x28: {  	s2 =	sld [smem:$0x3FAF]  }
0x29: {  	s4 =	sld [smem:$0x3FB1]  }
0x2a: {  	p0 =	seq.s32 s5, $0x0;
	s5 =	sld [smem:$0x3FB2]  }
0x2b: {  	s6 =	sld [smem:$0x3FB3]  }
0x2c: {  	s7 =	sld [smem:$0x3FB4]  }
0x2d: {  	s3 =	simm.s32 $0x108;
	s8 =	sld [smem:$0x3FB5]  }
0x2e: {  	s3 =	simm.s32 @!p0 $0x1082;
	s9 =	sld [smem:$0x3FB6]  }
0x2f: {  	lr =	sadd.s32 s0, s3;
	s0 =	sld [smem:$0x3FAD]  }
0x30: {  	s3 =	sld [smem:$0x3FB0]  }
0x31: {  	[smem:$0x3FB9] =	sst s10  }
0x32: {  	s10 =	sld [smem:$0x3FB7];
	_ =	sdelay $0x3  }
0x33: {  	p0 =	seq.s32 s10, $0x1;
	s10 =	sld [smem:$0x3FB9];
	_ =	sdelay $0x3  }
0x34: {  	[smem:$0x3FB9] =	sst s10  }
0x35: {  	s10 =	sld [smem:$0x3FB8];
	_ =	sdelay $0x3  }
0x36: {  	p1 =	seq.s32 s10, $0x1;
	s10 =	sld [smem:$0x3FB9];
	_ =	sdelay $0x3  }
0x37: {  	[smem:$0x3FB9] =	sst s10  }
0x38: {  	s10 =	sld [smem:$0x3FBA]  }
0x39: {  	_ = 	snop;
	(pc) =	sbr.ind lr, $3  }
0x3a: {  	_ = 	snop  }
0x3b: {  	_ = 	snop  }
0x3c: {  	p2 =	seq.s32 s10, $0x1;
	s10 =	sld [smem:$0x3FB9]  }
0x3d: {  	_ =	shalt  }
0x3e: {  	_ =	shalt  }
0x3f: {  	_ =	shalt  }
0x40: {  	_ =	shalt  }
0x41: {  	_ =	shalt  }
0x42: {  	_ =	shalt  }
0x43: {  	_ =	shalt  }
0x44: {  	_ =	shalt  }
0x45: {  	_ =	shalt  }
0x46: {  	_ =	shalt  }
0x47: {  	_ =	shalt  }
0x48: {  	_ =	shalt  }
0x49: {  	_ =	shalt  }
0x4a: {  	_ =	shalt  }
0x4b: {  	_ =	shalt  }
0x4c: {  	_ =	shalt  }
0x4d: {  	_ =	shalt  }
0x4e: {  	_ =	shalt  }
0x4f: {  	_ =	shalt  }
0x50: {  	_ =	shalt  }
0x51: {  	_ =	shalt  }
0x52: {  	_ =	shalt  }
0x53: {  	_ =	shalt  }
0x54: {  	_ =	shalt  }
0x55: {  	_ =	shalt  }
0x56: {  	_ =	shalt  }
0x57: {  	_ =	shalt  }
0x58: {  	_ =	shalt  }
0x59: {  	_ =	shalt  }
0x5a: {  	_ =	shalt  }
0x5b: {  	_ =	shalt  }
0x5c: {  	_ =	shalt  }
0x5d: {  	_ =	shalt  }
0x5e: {  	_ =	shalt  }
0x5f: {  	_ =	shalt  }
0x60: {  	_ =	shalt  }
0x61: {  	_ =	shalt  }
0x62: {  	_ =	shalt  }
0x63: {  	_ =	shalt  }
0x64: {  	_ =	shalt  }
0x65: {  	_ =	shalt  }
0x66: {  	_ =	shalt  }
0x67: {  	_ =	shalt  }
0x68: {  	_ =	shalt  }
0x69: {  	_ =	shalt  }
0x6a: {  	_ =	shalt  }
0x6b: {  	_ =	shalt  }
0x6c: {  	_ =	shalt  }
0x6d: {  	_ =	shalt  }
0x6e: {  	_ =	shalt  }
0x6f: {  	_ =	shalt  }
0x70: {  	_ =	shalt  }
0x71: {  	_ =	shalt  }
0x72: {  	_ =	shalt  }
0x73: {  	_ =	shalt  }
0x74: {  	_ =	shalt  }
0x75: {  	_ =	shalt  }
0x76: {  	_ =	shalt  }
0x77: {  	_ =	shalt  }
0x78: {  	_ =	shalt  }
0x79: {  	_ =	shalt  }
0x7a: {  	_ =	shalt  }
0x7b: {  	_ =	shalt  }
0x7c: {  	_ =	shalt  }
0x7d: {  	_ =	shalt  }
0x7e: {  	_ =	shalt  }
0x7f: {  	_ =	shalt  }
0x80: {  	_ =	shalt  }
0x81: {  	_ =	shalt  }
0x82: {  	_ =	shalt  }
0x83: {  	_ =	shalt  }
0x84: {  	_ =	shalt  }
0x85: {  	_ =	shalt  }
0x86: {  	_ =	shalt  }
0x87: {  	_ =	shalt  }
.Lfunc_end0:
.L_simem_size_0:
called_computation_lowered:
.L_overlay_start_0:
0x88: {  	s2 =	sld [smem:$0x3FD9]  }
0x89: {  	s3 =	sld [smem:$0x3FFE];
	_ =	sdelay $0x1  }
0x8a: {  	s1 =	srdreg.scid  }
0x8b: {  	s0 =	sand.u32 $0x1, s1  }
0x8c: {  	s18 =	sshll.u32 s0, $0xA;
	s2 =	sadd.s32 s3, s2  }
0x8d: {  	s2 =	sadd.s32 s2, s18  }
0x8e: {  	[smem:$0x3FC5] =	sst s2  }
0x8f: {  	_ = 	snop  }
0x90: {  	s2 =	sld [smem:$0x3FC9]  }
0x91: {  	s19 =	sld [smem:$0x3FC8]  }
0x92: {  	s4 =	sld [smem:$0x3FC7]  }
0x93: {  	s5 =	sld [smem:$0x3FD0];
	(tm) =	ssettm $0x1  }
0x94: {  	s6 =	sld [smem:$0x3FFB];
	_ =	sdelay $0x3  }
0x95: {  	_ =	strace s6  }
0x96: {  	s6 =	sld [smem:$0x3FFC];
	_ =	sdelay $0x3  }
0x97: {  	_ =	strace s6  }
0x98: {  	s6 =	sld [smem:$0x3FFD];
	_ =	sdelay $0x3  }
0x99: {  	_ =	strace s6  }
0x9a: {  	_ =	strace $0x8FFFFFFF  }
0x9b: {  	s20 =	sld [smem:$0x3FDB];
	_ =	sdelay $0x1  }
0x9c: {  	s7 =	simm.s32 $_scs_section_size  }
0x9d: {  	s8 =	simm.s32 $_size__tile_overlayer_lowered;
	s9 =	simm.s32 $_tile_overlayer_lowered  }
0x9e: {  	s23 =	simm.s32 $0x1BFF;
	s22 =	sshll.u32 s9, $0x1;
	s6 =	sadd.s32 s7, s20  }
0x9f: {  	s10 =	simm.s32 $0x0;
	s21 =	sshll.u32 s8, $0x1;
	s8 =	sadd.s32 s22, s6  }
0xa0: {  	[timem:s10], [sflag:s23] =	dma.local [hbm:s8], s21  }
0xa1: {  	_ =	swait.ge [sflag:s23], s21  }
0xa2: {  	s7 =	ssub.s32 $0x0, s21;
	[sflag:s23] =	ssyncset.done $0x0  }
0xa3: {  	[sflag:s23] =	ssyncadd.s32 s7;
	_ =	sdelay $0x1  }
0xa4: {  	s24 =	simm.s32 $0x1B8B  }
0xa5: {  	_ =	swait.ge [sflag:s24], $0x1  }
0xa6: {  	[sflag:s24] =	ssyncset.done $0x0  }
0xa7: {  	s25 =	simm.s32 $0x1B8E;
	[sflag:s24] =	ssyncadd.s32 $0xFFFFFFFF  }
0xa8: {  	s26 =	simm.s32 $execute0_lowered;
	[smem:$0x3FD2] =	sst s25  }
0xa9: {  	s7 =	sshll.u32 s26, $0x1;
	_ =	strace $0x80000046;
	[dreg:$0x1] =	wrdreg $0xFFFFFFFF  }
0xaa: {  	s28 =	simm.s32 $_size_execute0_lowered;
	s6 =	sadd.s32 s6, s7;
	[dreg:$0x0] =	wrdreg $0x0  }
0xab: {  	s7 =	sshll.u32 s28, $0x1;
	[dreg:$0x2] =	wrdreg s6  }
0xac: {  	[dreg:$0x3] =	wrdreg s7  }
0xad: {  	[dreg:$0x4] =	wrdreg $0xC0  }
0xae: {  	_ =	task [dreg:s10], $0x5FFFF  }
0xaf: {  	[dreg:$0x1] =	wrdreg $0xFFFFFFFF  }
0xb0: {  	[dreg:$0x0] =	wrdreg $0x60  }
0xb1: {  	[dreg:$0x2] =	wrdreg s2  }
0xb2: {  	[dreg:$0x3] =	wrdreg s19  }
0xb3: {  	[dreg:$0x4] =	wrdreg s4  }
0xb4: {  	[dreg:$0x5] =	wrdreg s5  }
0xb5: {  	[dreg:$0x6] =	wrdreg $0xA8000  }
0xb6: {  	[dreg:$0x7] =	wrdreg $0x9  }
0xb7: {  	_ =	task.clear_ibuf [dreg:s10], $0x8FFFF;
	_ =	strace $0x90000046  }
0xb8: {  	s29 =	simm.s32 $0x9;
	_ =	strace $0x80000048  }
0xb9: {  	_ =	swait.ge [sflag:s29], $0x1  }
0xba: {  	[sflag:s29] =	ssyncadd.s32 $0xFFFFFFFF  }
0xbb: {  	_ =	strace $0x90000048  }
0xbc: {  	_ =	sfence  }
0xbd: {  	s30 =	sld [smem:$0x0];
	_ =	sdelay $0x2  }
0xbe: {  	s31 =	sshll.u32 s1, $0xD;
	s1 =	sshrl.u32 s1, $0x2  }
0xbf: {  	s3 =	sand.u32 $0x4000, s31;
	s1 =	sadd.s32 s1, s30  }
0xc0: {  	s0 =	sor.u32 s3, s0;
	s1 =	sshll.u32 s1, $0x11  }
0xc1: {  	s0 =	sor.u32 s1, s0  }
0xc2: {  	s0 =	sadd.s32 $0x8F2B, s0  }
0xc3: {  	[sflag:s0] =	ssyncadd.remote.s32 $0x1  }
0xc4: {  	_ =	sfence.sel $0xFFFF  }
0xc5: {  	[dreg:$0x0] =	wrdreg $0xFFFFFFFF;
	(pc) =	sbr.abs _section_cstart, $3  }
0xc6: {  	[dreg:$0x1] =	wrdreg $0xFFFFFFFF  }
0xc7: {  	_ =	task.clear_ibuf [dreg:s10], $0x2FFFF;
	_ =	strace $0x9FFFFFFF  }
0xc8: {  	(tm) =	ssettm $0x7FFFFFFF  }
0xc9: {  	_ =	shalt  }
tec
execute0_lowered:
.L_overlay_start_1:
0x0: {  	(tag) =	ssettag $0x1  }
0x1: {  	s0 =	rddreg [dreg:$0x0]  }
0x2: {  	s1 =	rddreg [dreg:$0x1]  }
0x3: {  	s4 =	rddreg [dreg:$0x2];
	s2 =	srdreg.scid  }
0x4: {  	s5 =	stileid.u32;
	s6 =	rddreg [dreg:$0x3]  }
0x5: {  	s31 =	simm.s32 $0x2800;
	s7 =	sand.u32 $0x1, s2;
	s9 =	smul.u32 $0x4E200, s5  }
0x6: {  	s3 =	sshll.u32 s5, $0x1;
	s2 =	rddreg [dreg:$0x4];
	s12 =	smul.u32 $0x13800, s5  }
0x7: {  	s24 =	smul.u32 $0x4E000, s5;
	p0 =	sne.s32 s5, $0x0;
	s8 =	sor.u32 s7, s3  }
0x8: {  	s3 =	simm.s32 $0x0;
	s10 =	ssub.s32 $0x2, s7;
	s7 =	smul.u32 $0x138800, s7  }
0x9: {  	s30 =	sadd.s32 $0x138000, s2;
	s8 =	smul.u32 $0x2800, s8;
	[smem:$0x7FF] =	sst s3  }
0xa: {  	s11 =	sshrl.u32 s10, $0x1;
	s9 =	sshrl.u32 s9, $0x2;
	s19 =	sadd.s32 $0x3000, s12  }
0xb: {  	s20 =	sadd.s32 $0x6000, s12;
	s13 =	sadd.s32 $0x9000, s12;
	s26 =	sshrl.u32 s24, $0x2  }
0xc: {  	s10 =	ssub.s32 s10, s11;
	s16 =	sadd.s32 s12, s7;
	s8 =	sshrl.u32 s8, $0x3  }
0xd: {  	s11 =	sadd.s32 s7, s19;
	s5 =	sadd.s32 s26, s2;
	s14 =	sadd.s32 s1, s8  }
0xe: {  	s15 =	sadd.s32 s4, s8;
	s8 =	sadd.s32 $0x280, s8;
	[dreg:$0x6] =	wrdreg s14  }
0xf: {  	s18 =	sshrl.u32 s16, $0x3;
	[dreg:$0x7] =	wrdreg s15;
	s1 =	sadd.s32 s1, s8  }
0x10: {  	s17 =	sadd.s32 s4, s8;
	s14 =	sadd.s32 s7, s20;
	[dreg:$0x8] =	wrdreg s1  }
0x11: {  	s8 =	sshrl.u32 s11, $0x3;
	s4 =	simm.s32 $0x1400;
	[dreg:$0x9] =	wrdreg s17  }
0x12: {  	s1 =	sadd.s32 s6, s18;
	s11 =	sshrl.u32 s14, $0x3;
	s14 =	sadd.s32 s7, s13  }
0x13: {  	s8 =	sadd.s32 s6, s8;
	s17 =	sadd.s32 $0xC000, s12;
	[dreg:$0xa] =	wrdreg s1  }
0x14: {  	s18 =	sadd.s32 $0xF000, s12;
	s12 =	sadd.s32 $0x12000, s12;
	[dreg:$0xb] =	wrdreg s8  }
0x15: {  	s15 =	sadd.s32 s6, s11;
	s16 =	sshrl.u32 s14, $0x3;
	s21 =	sadd.s32 s7, s17  }
0x16: {  	s1 =	sadd.s32 s19, s2;
	s19 =	sadd.s32 s20, s2;
	s20 =	sadd.s32 s13, s2  }
0x17: {  	s11 =	simm.s32 $0x2780;
	[dreg:$0xc] =	wrdreg s15;
	s8 =	sadd.s32 s6, s16  }
0x18: {  	s15 =	sadd.s32 s7, s18;
	s14 =	sshrl.u32 s21, $0x3;
	s16 =	sadd.s32 s7, s12  }
0x19: {  	s7 =	sshrl.u32 s7, $0x3;
	s21 =	sadd.s32 s17, s2;
	[dreg:$0xd] =	wrdreg s8  }
0x1a: {  	s15 =	sshrl.u32 s15, $0x3;
	s14 =	sadd.s32 s6, s14;
	s23 =	sshrl.u32 s16, $0x3  }
0x1b: {  	s8 =	simm.s32 $0x2;
	[dreg:$0xe] =	wrdreg s14;
	s22 =	sadd.s32 s6, s15  }
0x1c: {  	s14 =	sadd.s32 s6, s23;
	s6 =	sadd.s32 s6, s7;
	s15 =	sadd.s32 s9, s2  }
0x1d: {  	s23 =	sadd.s32 s12, s2;
	s7 =	simm.s32 $0x1;
	[dreg:$0xf] =	wrdreg s22  }
0x1e: {  	s9 =	simm.s32 $0x1380;
	s12 =	simm.s32 $0x0;
	[dreg:$0x10] =	wrdreg s14  }
0x1f: {  	s25 =	sadd.s32 $0x4000, s15;
	s22 =	sadd.s32 s18, s2;
	s24 =	sadd.s32 $0x27000, s6  }
0x20: {  	s26 =	sadd.s32 $0x8000, s15;
	_ =	strace $0x80000047;
	[dreg:$0x11] =	wrdreg s25  }
0x21: {  	s28 =	sadd.s32 $0xC000, s15;
	s29 =	sadd.s32 $0x10000, s15;
	[dreg:$0x12] =	wrdreg s5  }
0x22: {  	s6 =	simm.s32 $0x6800;
	[dreg:$0x13] =	wrdreg s1;
	s25 =	smax.u32 s10, $0x1  }
0x23: {  	v0 =	vimm.f32 $0.0e+00;
	s1 =	simm.s32 $0x3;
	s5 =	simm.s32 $0x80;
	s10 =	simm.s32 $0x2700  }
.LBB2_1:
0x24: {  	s13 =	simm.s32 $0x0;
	s14 =	simm.s32 $0x200  }
.LBB2_2:
0x25: {  	p1 =	sne.s32 s14, $0xFE00;
	[tilespmem:s13+$0x2870] =	vst v0  }
0x26: {  	[tilespmem:s13+$0x2800] =	vst v0  }
0x27: {  	[tilespmem:s13+$0x2810] =	vst v0  }
.Ltmp0:
0x28: {  	[tilespmem:s13+$0x2820] =	vst v0;
	(pc) =	sbr.rel @p1 .LBB2_2-.Ltmp0, $4  }
0x29: {  	[tilespmem:s13+$0x2830] =	vst v0  }
0x2a: {  	[tilespmem:s13+$0x2840] =	vst v0  }
0x2b: {  	[tilespmem:s13+$0x2850] =	vst v0  }
0x2c: {  	[tilespmem:s13+$0x2860] =	vst v0;
	s13 =	sshra.s32 s14, $0x2;
	s14 =	sadd.s32 $0x200, s14  }
0x2d: {  	[tilespmem:s13+$0x2870] =	vst v0  }
0x2e: {  	[tilespmem:s13+$0x2800] =	vst v0  }
0x2f: {  	[tilespmem:s13+$0x2810] =	vst v0  }
0x30: {  	[tilespmem:s13+$0x2820] =	vst v0  }
0x31: {  	[tilespmem:s13+$0x2830] =	vst v0  }
0x32: {  	[tilespmem:s13+$0x2840] =	vst v0  }
0x33: {  	[tilespmem:s13+$0x2850] =	vst v0  }
0x34: {  	[tilespmem:s13+$0x2860] =	vst v0  }
0x35: {  	[spmem:s15] =	stream.linear.scatter [tilespmem:s31], [sflag:$0x3], $0x4000, $0x38;
	[tilespmem:$0x1E0C0] =	vst v63  }
0x36: {  	_ =	swait.ge [sflag:s1], $0x4000  }
0x37: {  	[sflag:s1] =	ssyncset.done $0x0  }
0x38: {  	s16 =	rddreg [dreg:$0x11];
	[sflag:s1] =	ssyncadd.s32 $0xFFFFC000  }
0x39: {  	[spmem:s16] =	stream.linear.scatter [tilespmem:s31], [sflag:$0x3], $0x4000, $0x38;
	[tilespmem:$0x1E0C0] =	vst v63  }
0x3a: {  	_ =	swait.ge [sflag:s1], $0x4000  }
0x3b: {  	[sflag:s1] =	ssyncset.done $0x0  }
0x3c: {  	[sflag:s1] =	ssyncadd.s32 $0xFFFFC000  }
0x3d: {  	[spmem:s26] =	stream.linear.scatter [tilespmem:s31], [sflag:$0x3], $0x4000, $0x38;
	[tilespmem:$0x1E0C0] =	vst v63  }
0x3e: {  	_ =	swait.ge [sflag:s1], $0x4000  }
0x3f: {  	[sflag:s1] =	ssyncset.done $0x0  }
0x40: {  	[sflag:s1] =	ssyncadd.s32 $0xFFFFC000  }
0x41: {  	[spmem:s28] =	stream.linear.scatter [tilespmem:s31], [sflag:$0x3], $0x4000, $0x38;
	[tilespmem:$0x1E0C0] =	vst v63  }
0x42: {  	_ =	swait.ge [sflag:s1], $0x4000  }
0x43: {  	[sflag:s1] =	ssyncset.done $0x0  }
0x44: {  	[sflag:s1] =	ssyncadd.s32 $0xFFFFC000  }
0x45: {  	[spmem:s29] =	stream.linear.scatter [tilespmem:s31], [sflag:$0x3], $0x3880, $0x38;
	[tilespmem:$0x1E0C0] =	vst v63  }
0x46: {  	_ =	swait.ge [sflag:s1], $0x3880  }
0x47: {  	[sflag:s1] =	ssyncset.done $0x0  }
0x48: {  	[sflag:s1] =	ssyncadd.s32 $0xFFFFC780  }
0x49: {  	[bflag:$0x0] =	sbarrier.arrive $0xFFFF  }
0x4a: {  	s17 =	simm.s32 $0x0;
	s14 =	rddreg [dreg:$0x6]  }
0x4b: {  	[tilespmem:s17], [sflag:$0x3] =	stream.linear.gather [hbm4b:s14+s17], $0x1400, $0x38;
	[tilespmem:$0x1E0C0] =	vst v63  }
0x4c: {  	_ =	swait.ge [sflag:s1], $0x1400  }
0x4d: {  	[sflag:s1] =	ssyncset.done $0x0  }
0x4e: {  	s18 =	rddreg [dreg:$0x7];
	[sflag:s1] =	ssyncadd.s32 $0xFFFFEC00  }
0x4f: {  	[tilespmem:s4], [sflag:$0x3] =	stream.linear.gather [hbm4b:s18+s17], $0x1400, $0x38;
	[tilespmem:$0x1E0C0] =	vst v63  }
0x50: {  	_ =	swait.ge [sflag:s1], $0x1400  }
0x51: {  	[sflag:s1] =	ssyncset.done $0x0  }
0x52: {  	[sflag:s1] =	ssyncadd.s32 $0xFFFFEC00  }
0x53: {  	[tilespmem:s31], [sflag:$0x1] =	stream.indirect.gather [hbm4b:s0+s5], $0x80, s17, s5, $0xb8;
	[tilespmem:$0x1E0C0] =	vst v63  }
0x54: {  	s14 =	simm.s32 $0x80  }
0x55: {  	[tilespmem:s6], [sflag:$0x2] =	stream.indirect.gather [hbm4b:s0+s5], $0x80, s14, s5, $0xb8;
	[tilespmem:$0x1E0C0] =	vst v63  }
0x56: {  	_ =	swait.ge [sflag:s7], $0x4000  }
0x57: {  	[sflag:s7] =	ssyncset.done $0x0  }
0x58: {  	s16 =	simm.s32 $0x1400;
	[sflag:s7] =	ssyncadd.s32 $0xFFFFC000  }
0x59: {  	[spmem:s2] =	stream.indirect.scatter.add.f32 [tilespmem:s31], [sflag:$0x3], $0x80, s16, s5, $0xb8;
	[tilespmem:$0x1E0C0] =	vst v63  }
0x5a: {  	_ =	swait.ge [sflag:s1], $0x4000  }
0x5b: {  	[sflag:s1] =	ssyncset.done $0x0  }
0x5c: {  	s17 =	simm.s32 $0x100;
	[sflag:s1] =	ssyncadd.s32 $0xFFFFC000  }
0x5d: {  	[tilespmem:s31], [sflag:$0x1] =	stream.indirect.gather [hbm4b:s0+s5], $0x80, s17, s5, $0xb8;
	[tilespmem:$0x1E0C0] =	vst v63  }
0x5e: {  	_ =	swait.ge [sflag:s8], $0x4000  }
0x5f: {  	[sflag:s8] =	ssyncset.done $0x0  }
0x60: {  	s18 =	simm.s32 $0x1480;
	[sflag:s8] =	ssyncadd.s32 $0xFFFFC000  }
0x61: {  	[spmem:s2] =	stream.indirect.scatter.add.f32 [tilespmem:s6], [sflag:$0x3], $0x80, s18, s5, $0xb8;
	[tilespmem:$0x1E0C0] =	vst v63  }
0x62: {  	_ =	swait.ge [sflag:s1], $0x4000  }
0x63: {  	s13 =	simm.s32 $0x100;
	s14 =	simm.s32 $0x800;
	[sflag:s1] =	ssyncset.done $0x0  }
.LBB2_4:
0x64: {  	s16 =	sadd.s32 $0x80, s13  }
0x65: {  	[sflag:s1] =	ssyncadd.s32 $0xFFFFC000;
	s17 =	smov.u32 s14;
	s18 =	sadd.s32 $0x400, s14  }
0x66: {  	[tilespmem:s6], [sflag:$0x2] =	stream.indirect.gather [hbm4b:s0+s5], $0x80, s16, s5, $0xb8;
	[tilespmem:$0x1E0C0] =	vst v63  }
0x67: {  	p1 =	sne.s32 s14, $0x4800;
	_ =	swait.ge [sflag:s7], $0x4000  }
0x68: {  	[sflag:s7] =	ssyncset.done $0x0  }
0x69: {  	s14 =	sadd.s32 $0x1400, s13;
	[sflag:s7] =	ssyncadd.s32 $0xFFFFC000  }
0x6a: {  	[spmem:s2] =	stream.indirect.scatter.add.f32 [tilespmem:s31], [sflag:$0x3], $0x80, s14, s5, $0xb8;
	[tilespmem:$0x1E0C0] =	vst v63  }
0x6b: {  	_ =	swait.ge [sflag:s1], $0x4000  }
0x6c: {  	[sflag:s1] =	ssyncset.done $0x0  }
0x6d: {  	s14 =	sadd.s32 $0x100, s13;
	[sflag:s1] =	ssyncadd.s32 $0xFFFFC000  }
0x6e: {  	[tilespmem:s31], [sflag:$0x1] =	stream.indirect.gather [hbm4b:s0+s5], $0x80, s14, s5, $0xb8;
	[tilespmem:$0x1E0C0] =	vst v63  }
0x6f: {  	_ =	swait.ge [sflag:s8], $0x4000  }
.Ltmp1:
0x70: {  	[sflag:s8] =	ssyncset.done $0x0;
	(pc) =	sbr.rel @p1 .LBB2_4-.Ltmp1, $4  }
0x71: {  	s13 =	sadd.s32 $0x1480, s13;
	[sflag:s8] =	ssyncadd.s32 $0xFFFFC000  }
0x72: {  	[spmem:s2] =	stream.indirect.scatter.add.f32 [tilespmem:s6], [sflag:$0x3], $0x80, s13, s5, $0xb8;
	[tilespmem:$0x1E0C0] =	vst v63  }
0x73: {  	_ =	swait.ge [sflag:s1], $0x4000  }
0x74: {  	s14 =	smov.u32 s18;
	s13 =	sshra.s32 s17, $0x2;
	[sflag:s1] =	ssyncset.done $0x0  }
0x75: {  	s14 =	sadd.s32 $0x80, s13;
	[sflag:s1] =	ssyncadd.s32 $0xFFFFC000  }
0x76: {  	[tilespmem:s6], [sflag:$0x2] =	stream.indirect.gather [hbm4b:s0+s5], $0x80, s14, s5, $0xb8;
	[tilespmem:$0x1E0C0] =	vst v63  }
0x77: {  	_ =	swait.ge [sflag:s7], $0x4000  }
0x78: {  	[sflag:s7] =	ssyncset.done $0x0  }
0x79: {  	s17 =	sadd.s32 $0x1400, s13;
	[sflag:s7] =	ssyncadd.s32 $0xFFFFC000  }
0x7a: {  	[spmem:s2] =	stream.indirect.scatter.add.f32 [tilespmem:s31], [sflag:$0x3], $0x80, s17, s5, $0xb8;
	[tilespmem:$0x1E0C0] =	vst v63  }
0x7b: {  	_ =	swait.ge [sflag:s1], $0x4000  }
0x7c: {  	[sflag:s1] =	ssyncset.done $0x0  }
0x7d: {  	s18 =	sadd.s32 $0x100, s13;
	[sflag:s1] =	ssyncadd.s32 $0xFFFFC000  }
0x7e: {  	[tilespmem:s31], [sflag:$0x1] =	stream.indirect.gather [hbm4b:s0+s5], $0x80, s18, s5, $0xb8;
	[tilespmem:$0x1E0C0] =	vst v63  }
0x7f: {  	_ =	swait.ge [sflag:s8], $0x4000  }
0x80: {  	[sflag:s8] =	ssyncset.done $0x0  }
0x81: {  	s14 =	sadd.s32 $0x1480, s13;
	[sflag:s8] =	ssyncadd.s32 $0xFFFFC000  }
0x82: {  	[spmem:s2] =	stream.indirect.scatter.add.f32 [tilespmem:s6], [sflag:$0x3], $0x80, s14, s5, $0xb8;
	[tilespmem:$0x1E0C0] =	vst v63  }
0x83: {  	_ =	swait.ge [sflag:s1], $0x4000  }
0x84: {  	[sflag:s1] =	ssyncset.done $0x0  }
0x85: {  	[sflag:s1] =	ssyncadd.s32 $0xFFFFC000  }
0x86: {  	[tilespmem:s6], [sflag:$0x2] =	stream.indirect.gather [hbm4b:s0+s5], $0x80, s9, s5, $0xb8;
	[tilespmem:$0x1E0C0] =	vst v63  }
0x87: {  	_ =	swait.ge [sflag:s7], $0x4000  }
0x88: {  	[sflag:s7] =	ssyncset.done $0x0  }
0x89: {  	[sflag:s7] =	ssyncadd.s32 $0xFFFFC000  }
0x8a: {  	[spmem:s2] =	stream.indirect.scatter.add.f32 [tilespmem:s31], [sflag:$0x3], $0x80, s10, s5, $0xb8;
	[tilespmem:$0x1E0C0] =	vst v63  }
0x8b: {  	_ =	swait.ge [sflag:s1], $0x4000  }
0x8c: {  	[sflag:s1] =	ssyncset.done $0x0  }
0x8d: {  	[sflag:s1] =	ssyncadd.s32 $0xFFFFC000  }
0x8e: {  	_ =	swait.ge [sflag:s8], $0x4000  }
0x8f: {  	[sflag:s8] =	ssyncset.done $0x0  }
0x90: {  	[sflag:s8] =	ssyncadd.s32 $0xFFFFC000  }
0x91: {  	[spmem:s2] =	stream.indirect.scatter.add.f32 [tilespmem:s6], [sflag:$0x3], $0x80, s11, s5, $0xb8;
	[tilespmem:$0x1E0C0] =	vst v63  }
0x92: {  	_ =	swait.ge [sflag:s1], $0x4000  }
0x93: {  	[sflag:s1] =	ssyncset.done $0x0  }
0x94: {  	s16 =	simm.s32 $0x0;
	s17 =	rddreg [dreg:$0x8];
	[sflag:s1] =	ssyncadd.s32 $0xFFFFC000  }
0x95: {  	[tilespmem:s16], [sflag:$0x3] =	stream.linear.gather [hbm4b:s17+s16], $0x1400, $0x38;
	[tilespmem:$0x1E0C0] =	vst v63  }
0x96: {  	_ =	swait.ge [sflag:s1], $0x1400  }
0x97: {  	[sflag:s1] =	ssyncset.done $0x0  }
0x98: {  	s18 =	rddreg [dreg:$0x9];
	[sflag:s1] =	ssyncadd.s32 $0xFFFFEC00  }
0x99: {  	[tilespmem:s4], [sflag:$0x3] =	stream.linear.gather [hbm4b:s18+s16], $0x1400, $0x38;
	[tilespmem:$0x1E0C0] =	vst v63  }
0x9a: {  	_ =	swait.ge [sflag:s1], $0x1400  }
0x9b: {  	[sflag:s1] =	ssyncset.done $0x0  }
0x9c: {  	[sflag:s1] =	ssyncadd.s32 $0xFFFFEC00  }
0x9d: {  	[tilespmem:s31], [sflag:$0x1] =	stream.indirect.gather [hbm4b:s0+s5], $0x80, s16, s5, $0xb8;
	[tilespmem:$0x1E0C0] =	vst v63  }
0x9e: {  	s14 =	simm.s32 $0x80  }
0x9f: {  	[tilespmem:s6], [sflag:$0x2] =	stream.indirect.gather [hbm4b:s0+s5], $0x80, s14, s5, $0xb8;
	[tilespmem:$0x1E0C0] =	vst v63  }
0xa0: {  	_ =	swait.ge [sflag:s7], $0x4000  }
0xa1: {  	[sflag:s7] =	ssyncset.done $0x0  }
0xa2: {  	s16 =	simm.s32 $0x1400;
	[sflag:s7] =	ssyncadd.s32 $0xFFFFC000  }
0xa3: {  	[spmem:s2] =	stream.indirect.scatter.add.f32 [tilespmem:s31], [sflag:$0x3], $0x80, s16, s5, $0xb8;
	[tilespmem:$0x1E0C0] =	vst v63  }
0xa4: {  	_ =	swait.ge [sflag:s1], $0x4000  }
0xa5: {  	[sflag:s1] =	ssyncset.done $0x0  }
0xa6: {  	s17 =	simm.s32 $0x100;
	[sflag:s1] =	ssyncadd.s32 $0xFFFFC000  }
0xa7: {  	[tilespmem:s31], [sflag:$0x1] =	stream.indirect.gather [hbm4b:s0+s5], $0x80, s17, s5, $0xb8;
	[tilespmem:$0x1E0C0] =	vst v63  }
0xa8: {  	_ =	swait.ge [sflag:s8], $0x4000  }
0xa9: {  	[sflag:s8] =	ssyncset.done $0x0  }
0xaa: {  	s18 =	simm.s32 $0x1480;
	[sflag:s8] =	ssyncadd.s32 $0xFFFFC000  }
0xab: {  	[spmem:s2] =	stream.indirect.scatter.add.f32 [tilespmem:s6], [sflag:$0x3], $0x80, s18, s5, $0xb8;
	[tilespmem:$0x1E0C0] =	vst v63  }
0xac: {  	_ =	swait.ge [sflag:s1], $0x4000  }
0xad: {  	s13 =	simm.s32 $0x100;
	s14 =	simm.s32 $0x800;
	[sflag:s1] =	ssyncset.done $0x0  }
.LBB2_6:
0xae: {  	s16 =	sadd.s32 $0x80, s13  }
0xaf: {  	[sflag:s1] =	ssyncadd.s32 $0xFFFFC000;
	s17 =	smov.u32 s14;
	s18 =	sadd.s32 $0x400, s14  }
0xb0: {  	[tilespmem:s6], [sflag:$0x2] =	stream.indirect.gather [hbm4b:s0+s5], $0x80, s16, s5, $0xb8;
	[tilespmem:$0x1E0C0] =	vst v63  }
0xb1: {  	p1 =	sne.s32 s14, $0x4800;
	_ =	swait.ge [sflag:s7], $0x4000  }
0xb2: {  	[sflag:s7] =	ssyncset.done $0x0  }
0xb3: {  	s14 =	sadd.s32 $0x1400, s13;
	[sflag:s7] =	ssyncadd.s32 $0xFFFFC000  }
0xb4: {  	[spmem:s2] =	stream.indirect.scatter.add.f32 [tilespmem:s31], [sflag:$0x3], $0x80, s14, s5, $0xb8;
	[tilespmem:$0x1E0C0] =	vst v63  }
0xb5: {  	_ =	swait.ge [sflag:s1], $0x4000  }
0xb6: {  	[sflag:s1] =	ssyncset.done $0x0  }
0xb7: {  	s14 =	sadd.s32 $0x100, s13;
	[sflag:s1] =	ssyncadd.s32 $0xFFFFC000  }
0xb8: {  	[tilespmem:s31], [sflag:$0x1] =	stream.indirect.gather [hbm4b:s0+s5], $0x80, s14, s5, $0xb8;
	[tilespmem:$0x1E0C0] =	vst v63  }
0xb9: {  	_ =	swait.ge [sflag:s8], $0x4000  }
.Ltmp2:
0xba: {  	[sflag:s8] =	ssyncset.done $0x0;
	(pc) =	sbr.rel @p1 .LBB2_6-.Ltmp2, $4  }
0xbb: {  	s13 =	sadd.s32 $0x1480, s13;
	[sflag:s8] =	ssyncadd.s32 $0xFFFFC000  }
0xbc: {  	[spmem:s2] =	stream.indirect.scatter.add.f32 [tilespmem:s6], [sflag:$0x3], $0x80, s13, s5, $0xb8;
	[tilespmem:$0x1E0C0] =	vst v63  }
0xbd: {  	_ =	swait.ge [sflag:s1], $0x4000  }
0xbe: {  	s14 =	smov.u32 s18;
	s13 =	sshra.s32 s17, $0x2;
	[sflag:s1] =	ssyncset.done $0x0  }
0xbf: {  	s14 =	sadd.s32 $0x80, s13;
	[sflag:s1] =	ssyncadd.s32 $0xFFFFC000  }
0xc0: {  	[tilespmem:s6], [sflag:$0x2] =	stream.indirect.gather [hbm4b:s0+s5], $0x80, s14, s5, $0xb8;
	[tilespmem:$0x1E0C0] =	vst v63  }
0xc1: {  	_ =	swait.ge [sflag:s7], $0x4000  }
0xc2: {  	[sflag:s7] =	ssyncset.done $0x0  }
0xc3: {  	s18 =	sadd.s32 $0x1400, s13;
	[sflag:s7] =	ssyncadd.s32 $0xFFFFC000  }
0xc4: {  	[spmem:s2] =	stream.indirect.scatter.add.f32 [tilespmem:s31], [sflag:$0x3], $0x80, s18, s5, $0xb8;
	[tilespmem:$0x1E0C0] =	vst v63  }
0xc5: {  	_ =	swait.ge [sflag:s1], $0x4000  }
0xc6: {  	[sflag:s1] =	ssyncset.done $0x0  }
0xc7: {  	s16 =	sadd.s32 $0x100, s13;
	[sflag:s1] =	ssyncadd.s32 $0xFFFFC000  }
0xc8: {  	[tilespmem:s31], [sflag:$0x1] =	stream.indirect.gather [hbm4b:s0+s5], $0x80, s16, s5, $0xb8;
	[tilespmem:$0x1E0C0] =	vst v63  }
0xc9: {  	_ =	swait.ge [sflag:s8], $0x4000  }
0xca: {  	[sflag:s8] =	ssyncset.done $0x0  }
0xcb: {  	s17 =	sadd.s32 $0x1480, s13;
	[sflag:s8] =	ssyncadd.s32 $0xFFFFC000  }
0xcc: {  	[spmem:s2] =	stream.indirect.scatter.add.f32 [tilespmem:s6], [sflag:$0x3], $0x80, s17, s5, $0xb8;
	[tilespmem:$0x1E0C0] =	vst v63  }
0xcd: {  	_ =	swait.ge [sflag:s1], $0x4000  }
0xce: {  	[sflag:s1] =	ssyncset.done $0x0  }
0xcf: {  	[sflag:s1] =	ssyncadd.s32 $0xFFFFC000  }
0xd0: {  	[tilespmem:s6], [sflag:$0x2] =	stream.indirect.gather [hbm4b:s0+s5], $0x80, s9, s5, $0xb8;
	[tilespmem:$0x1E0C0] =	vst v63  }
0xd1: {  	_ =	swait.ge [sflag:s7], $0x4000  }
0xd2: {  	[sflag:s7] =	ssyncset.done $0x0  }
0xd3: {  	[sflag:s7] =	ssyncadd.s32 $0xFFFFC000  }
0xd4: {  	[spmem:s2] =	stream.indirect.scatter.add.f32 [tilespmem:s31], [sflag:$0x3], $0x80, s10, s5, $0xb8;
	[tilespmem:$0x1E0C0] =	vst v63  }
0xd5: {  	_ =	swait.ge [sflag:s1], $0x4000  }
0xd6: {  	[sflag:s1] =	ssyncset.done $0x0  }
0xd7: {  	[sflag:s1] =	ssyncadd.s32 $0xFFFFC000  }
0xd8: {  	_ =	swait.ge [sflag:s8], $0x4000  }
0xd9: {  	[sflag:s8] =	ssyncset.done $0x0  }
0xda: {  	[sflag:s8] =	ssyncadd.s32 $0xFFFFC000  }
0xdb: {  	[spmem:s2] =	stream.indirect.scatter.add.f32 [tilespmem:s6], [sflag:$0x3], $0x80, s11, s5, $0xb8;
	[tilespmem:$0x1E0C0] =	vst v63  }
0xdc: {  	_ =	swait.ge [sflag:s1], $0x4000  }
0xdd: {  	[sflag:s1] =	ssyncset.done $0x0  }
0xde: {  	[sflag:s1] =	ssyncadd.s32 $0xFFFFC000  }
0xdf: {  	[bflag:$0x0] =	sbarrier.arrive $0xFFFF  }
0xe0: {  	s18 =	rddreg [dreg:$0x12]  }
0xe1: {  	[tilespmem:s31], [sflag:$0x3] =	stream.linear.gather [spmem:s18], $0x3000, $0x38;
	[tilespmem:$0x1E0C0] =	vst v63  }
0xe2: {  	_ =	swait.ge [sflag:s1], $0x3000  }
0xe3: {  	[sflag:s1] =	ssyncset.done $0x0  }
0xe4: {  	s14 =	rddreg [dreg:$0xa];
	[sflag:s1] =	ssyncadd.s32 $0xFFFFD000  }
0xe5: {  	[hbm4b:s14+s3] =	stream.linear.scatter [tilespmem:s31], [sflag:$0x3], $0x3000, $0x38;
	[tilespmem:$0x1E0C0] =	vst v63  }
0xe6: {  	_ =	swait.ge [sflag:s1], $0x3000  }
0xe7: {  	[sflag:s1] =	ssyncset.done $0x0  }
0xe8: {  	s16 =	rddreg [dreg:$0x13];
	[sflag:s1] =	ssyncadd.s32 $0xFFFFD000  }
0xe9: {  	[tilespmem:s31], [sflag:$0x3] =	stream.linear.gather [spmem:s16], $0x3000, $0x38;
	[tilespmem:$0x1E0C0] =	vst v63  }
0xea: {  	_ =	swait.ge [sflag:s1], $0x3000  }
0xeb: {  	[sflag:s1] =	ssyncset.done $0x0  }
0xec: {  	s17 =	rddreg [dreg:$0xb];
	[sflag:s1] =	ssyncadd.s32 $0xFFFFD000  }
0xed: {  	[hbm4b:s17+s3] =	stream.linear.scatter [tilespmem:s31], [sflag:$0x3], $0x3000, $0x38;
	[tilespmem:$0x1E0C0] =	vst v63  }
0xee: {  	_ =	swait.ge [sflag:s1], $0x3000  }
0xef: {  	[sflag:s1] =	ssyncset.done $0x0  }
0xf0: {  	[sflag:s1] =	ssyncadd.s32 $0xFFFFD000  }
0xf1: {  	[tilespmem:s31], [sflag:$0x3] =	stream.linear.gather [spmem:s19], $0x3000, $0x38;
	[tilespmem:$0x1E0C0] =	vst v63  }
0xf2: {  	_ =	swait.ge [sflag:s1], $0x3000  }
0xf3: {  	[sflag:s1] =	ssyncset.done $0x0  }
0xf4: {  	s18 =	rddreg [dreg:$0xc];
	[sflag:s1] =	ssyncadd.s32 $0xFFFFD000  }
0xf5: {  	[hbm4b:s18+s3] =	stream.linear.scatter [tilespmem:s31], [sflag:$0x3], $0x3000, $0x38;
	[tilespmem:$0x1E0C0] =	vst v63  }
0xf6: {  	_ =	swait.ge [sflag:s1], $0x3000  }
0xf7: {  	[sflag:s1] =	ssyncset.done $0x0  }
0xf8: {  	[sflag:s1] =	ssyncadd.s32 $0xFFFFD000  }
0xf9: {  	[tilespmem:s31], [sflag:$0x3] =	stream.linear.gather [spmem:s20], $0x3000, $0x38;
	[tilespmem:$0x1E0C0] =	vst v63  }
0xfa: {  	_ =	swait.ge [sflag:s1], $0x3000  }
0xfb: {  	[sflag:s1] =	ssyncset.done $0x0  }
0xfc: {  	s14 =	rddreg [dreg:$0xd];
	[sflag:s1] =	ssyncadd.s32 $0xFFFFD000  }
0xfd: {  	[hbm4b:s14+s3] =	stream.linear.scatter [tilespmem:s31], [sflag:$0x3], $0x3000, $0x38;
	[tilespmem:$0x1E0C0] =	vst v63  }
0xfe: {  	_ =	swait.ge [sflag:s1], $0x3000  }
0xff: {  	[sflag:s1] =	ssyncset.done $0x0  }
0x100: {  	[sflag:s1] =	ssyncadd.s32 $0xFFFFD000  }
0x101: {  	[tilespmem:s31], [sflag:$0x3] =	stream.linear.gather [spmem:s21], $0x3000, $0x38;
	[tilespmem:$0x1E0C0] =	vst v63  }
0x102: {  	_ =	swait.ge [sflag:s1], $0x3000  }
0x103: {  	[sflag:s1] =	ssyncset.done $0x0  }
0x104: {  	s16 =	rddreg [dreg:$0xe];
	[sflag:s1] =	ssyncadd.s32 $0xFFFFD000  }
0x105: {  	[hbm4b:s16+s3] =	stream.linear.scatter [tilespmem:s31], [sflag:$0x3], $0x3000, $0x38;
	[tilespmem:$0x1E0C0] =	vst v63  }
0x106: {  	_ =	swait.ge [sflag:s1], $0x3000  }
0x107: {  	[sflag:s1] =	ssyncset.done $0x0  }
0x108: {  	[sflag:s1] =	ssyncadd.s32 $0xFFFFD000  }
0x109: {  	[tilespmem:s31], [sflag:$0x3] =	stream.linear.gather [spmem:s22], $0x3000, $0x38;
	[tilespmem:$0x1E0C0] =	vst v63  }
0x10a: {  	_ =	swait.ge [sflag:s1], $0x3000  }
0x10b: {  	[sflag:s1] =	ssyncset.done $0x0  }
0x10c: {  	s17 =	rddreg [dreg:$0xf];
	[sflag:s1] =	ssyncadd.s32 $0xFFFFD000  }
0x10d: {  	[hbm4b:s17+s3] =	stream.linear.scatter [tilespmem:s31], [sflag:$0x3], $0x3000, $0x38;
	[tilespmem:$0x1E0C0] =	vst v63  }
0x10e: {  	_ =	swait.ge [sflag:s1], $0x3000  }
0x10f: {  	[sflag:s1] =	ssyncset.done $0x0  }
0x110: {  	[sflag:s1] =	ssyncadd.s32 $0xFFFFD000  }
0x111: {  	[tilespmem:s31], [sflag:$0x3] =	stream.linear.gather [spmem:s23], $0x1800, $0x38;
	[tilespmem:$0x1E0C0] =	vst v63  }
0x112: {  	_ =	swait.ge [sflag:s1], $0x1800  }
0x113: {  	[sflag:s1] =	ssyncset.done $0x0  }
0x114: {  	s18 =	rddreg [dreg:$0x10];
	[sflag:s1] =	ssyncadd.s32 $0xFFFFE800  }
0x115: {  	[hbm4b:s18+s3] =	stream.linear.scatter [tilespmem:s31], [sflag:$0x3], $0x1800, $0x38;
	[tilespmem:$0x1E0C0] =	vst v63  }
0x116: {  	_ =	swait.ge [sflag:s1], $0x1800  }
0x117: {  	[sflag:s1] =	ssyncset.done $0x0  }
0x118: {  	s13 =	simm.s32 @!p0 $0x2800;
	s14 =	simm.s32 @!p0 $0x3;
	[sflag:s1] =	ssyncadd.s32 $0xFFFFE800  }
0x119: {  	[tilespmem:s13], [sflag:$0x3] =	stream.linear.gather @!p0 [spmem:s30], $0x800, $0x38;
	[tilespmem:$0x1E0C0] =	vst v63  }
0x11a: {  	s12 =	sadd.s32 $0x1, s12;
	_ =	swait.ge @!p0 [sflag:s14], $0x800  }
0x11b: {  	p1 =	sne.s32 s12, s25;
	[sflag:s14] =	ssyncset.done @!p0 $0x0  }
.Ltmp3:
0x11c: {  	s16 =	simm.s32 @!p0 $0x0;
	[sflag:s14] =	ssyncadd.s32 @!p0 $0xFFFFF800;
	(pc) =	sbr.rel @p1 .LBB2_1-.Ltmp3, $4  }
0x11d: {  	[hbm4b:s24+s16] =	stream.linear.scatter @!p0 [tilespmem:s13], [sflag:$0x3], $0x800, $0x38;
	[tilespmem:$0x1E0C0] =	vst v63  }
0x11e: {  	_ =	swait.ge @!p0 [sflag:s14], $0x800  }
0x11f: {  	[sflag:s14] =	ssyncset.done @!p0 $0x0  }
0x120: {  	[sflag:s14] =	ssyncadd.s32 @!p0 $0xFFFFF800  }
0x121: {  	_ =	sfence.sel $0x180000  }
0x122: {  	[bflag:$0x0] =	sbarrier.arrive $0xFFFF  }
0x123: {  	_ =	strace $0x90000047  }
0x124: {  	[bflag:$0x2] =	sbarrier.arrive $0xFFFF  }
0x125: {  	s0 =	rddreg [dreg:$0x5]  }
0x126: {  	s0 =	sadd.s32 @!p0 $0x100000, s0  }
0x127: {  	[sflag:s0] =	ssyncadd.tile.s32 @!p0 $0x1;
	_ =	shalt  }
.Lfunc_end2:
_tile_overlayer_lowered:
.L_overlay_start_2:
0x128: {  	(tag) =	ssettag $0x2  }
0x129: {  	s0 =	rddreg [dreg:$0x0];
	s2 =	stileid.u32  }
0x12a: {  	s1 =	rddreg [dreg:$0x1];
	p0 =	sne.s32 s2, $0x0  }
0x12b: {  	s3 =	rddreg [dreg:$0x2];
	[bflag:$0x3] =	sbarrier.arrive $0xFFFF;
	s2 =	simm.s32 @!p0 $0x1C03  }
0x12c: {  	[timem:s3], [sflag:s2] =	dma.local @!p0 [hbm:s0], s1  }
0x12d: {  	s0 =	simm.s32 @!p0 $0x3  }
0x12e: {  	_ =	swait.ge @!p0 [sflag:s0], s1  }
0x12f: {  	s1 =	ssub.s32 @!p0 $0x0, s1;
	[sflag:s0] =	ssyncset.done @!p0 $0x0  }
0x130: {  	[sflag:s0] =	ssyncadd.s32 @!p0 s1  }
0x131: {  	[bflag:$0x3] =	sbarrier.arrive $0xFFFF  }
0x132: {  	_ =	shalt  }

</sc_bundles>
